<compile_context>
chip_gen: v7x
topology: tpu7x:2x2x1
jax: 0.10.2.dev20260603
libtpu: 0.0.44.dev20260713+nightly
codegen_flags: <defaults>
</compile_context>

<pallas_src>
import functools

import jax
import jax.numpy as jnp
from jax import lax
from jax.experimental import pallas as pl
from jax.experimental.pallas import tpu as pltpu
from jax.experimental.pallas import tpu_sc as plsc

_GRP = 128
_CHUNK = 512
_NBUF = 2


@functools.lru_cache(maxsize=None)
def _build(N, F, num_cores, num_subcores):
    NW = num_cores * num_subcores
    PER_W = N // NW
    K = _CHUNK // _GRP
    NCHUNK = PER_W // _CHUNK
    IDX_ROWS = PER_W // _GRP
    assert NCHUNK >= 2 and NCHUNK % 2 == 0

    mesh = plsc.VectorSubcoreMesh(core_axis_name="c", subcore_axis_name="s")

    @functools.partial(
        pl.kernel,
        mesh=mesh,
        compiler_params=pltpu.CompilerParams(use_tc_tiling_on_sc=False),
        out_type=jax.ShapeDtypeStruct((N, F), jnp.float32),
        scratch_types=[
            pltpu.VMEM((IDX_ROWS, _GRP), jnp.int32),
            pltpu.VMEM((_NBUF * _CHUNK, F), jnp.float32),
            pltpu.SemaphoreType.DMA,
            pltpu.SemaphoreType.DMA,
            pltpu.SemaphoreType.DMA,
            pltpu.SemaphoreType.DMA,
        ],
    )
    def body(idx_hbm, table_hbm, out_hbm, idx_v, rows_v,
             sem_g0, sem_g1, sem_o0, sem_o1):
        wid = lax.axis_index("s") * num_cores + lax.axis_index("c")
        sem_g = (sem_g0, sem_g1)
        sem_o = (sem_o0, sem_o1)
        pltpu.sync_copy(idx_hbm.at[pl.ds(wid * IDX_ROWS, IDX_ROWS)], idx_v)

        def gathers(g, b):
            return [
                pltpu.make_async_copy(
                    table_hbm.at[idx_v.at[g * K + j]],
                    rows_v.at[pl.ds(b * _CHUNK + j * _GRP, _GRP)],
                    sem_g[b],
                )
                for j in range(K)
            ]

        def out_copy(g, b):
            return pltpu.make_async_copy(
                rows_v.at[pl.ds(b * _CHUNK, _CHUNK)],
                out_hbm.at[pl.ds(wid * PER_W + g * _CHUNK, _CHUNK)],
                sem_o[b],
            )

        for d in gathers(0, 0):
            d.start()
        for d in gathers(1, 1):
            d.start()
        for d in gathers(0, 0):
            d.wait()
        out_copy(0, 0).start()

        def main(go, carry):
            for off in range(2):
                g = 2 * go + 1 + off
                b = 1 - off
                out_copy(g - 1, 1 - b).wait()
                for d in gathers(g + 1, 1 - b):
                    d.start()
                for d in gathers(g, b):
                    d.wait()
                out_copy(g, b).start()
            return carry

        lax.fori_loop(0, (NCHUNK - 2) // 2, main, 0)

        out_copy(NCHUNK - 2, 0).wait()
        for d in gathers(NCHUNK - 1, 1):
            d.wait()
        out_copy(NCHUNK - 1, 1).start()
        out_copy(NCHUNK - 1, 1).wait()

    return body


def kernel(inputs, embedding):
    B, H = inputs.shape
    V, F = embedding.shape
    N = B * H
    info = plsc.get_sparse_core_info()
    idx = inputs.reshape(N // _GRP, _GRP).astype(jnp.int32)
    out = _build(N, F, info.num_cores, info.num_subcores)(idx, embedding)
    return out.reshape(B, H, F)

# --- scband reference (transcript-rebuilt; emitter-appended) ---
"""Pipeline reference for scband-embed-5549097747040 (READ-ONLY COPY).

The authoritative reference and input builder live on the scoring server;
editing this copy changes nothing except your own understanding.
"""

import jax, jax.numpy as jnp
import numpy as np

NUM_EMBEDDINGS = 1000000
FEATURES = 64
BATCH = 4096
HIST = 200

def setup_inputs(seed: int = 0) -> dict:
    key = jax.random.key(seed)
    k_idx, k_emb = jax.random.split(key)
    inputs = jax.random.randint(k_idx, (BATCH, HIST), 0, NUM_EMBEDDINGS, dtype=jnp.int64)
    embedding = jax.random.normal(k_emb, (NUM_EMBEDDINGS, FEATURES), dtype=jnp.float32) * 0.1
    return {"inputs": inputs, "embedding": embedding}

def reference(inputs, embedding):
    # mode == 'input' path of flax Embed: gather rows of the table
    return jnp.take(embedding, inputs, axis=0)

if __name__ == "__main__":
    import jax
    _d = setup_inputs()
    print(jax.jit(kernel)(*tuple(_d.values())))

</pallas_src>

<mosaic_0001>
#map = affine_map<(d0, d1) -> (0, 0)>
module attributes {stable_mosaic.version = 14 : i64} {
  func.func @body(%arg0: i32, %arg1: i32, %arg2: memref<6400x128xi32, #tpu.memory_space<hbm>>, %arg3: memref<1000000x64xf32, #tpu.memory_space<hbm>>, %arg4: memref<819200x64xf32, #tpu.memory_space<hbm>>, %arg5: memref<200x128xi32, #tpu.memory_space<vmem>>, %arg6: memref<1024x64xf32, #tpu.memory_space<vmem>>, %arg7: memref<!tpu.dma_semaphore, #tpu.memory_space<semaphore_mem>>, %arg8: memref<!tpu.dma_semaphore, #tpu.memory_space<semaphore_mem>>, %arg9: memref<!tpu.dma_semaphore, #tpu.memory_space<semaphore_mem>>, %arg10: memref<!tpu.dma_semaphore, #tpu.memory_space<semaphore_mem>>) attributes {dimension_semantics = [#tpu.dimension_semantics<core_parallel>, #tpu.dimension_semantics<subcore_parallel>], iteration_bounds = array<i64: 2, 16>, scalar_prefetch = 0 : i64, scratch_operands = 6 : i64, tpu.core_type = #tpu.core_type<sc_vector_subcore>, window_params = [{transform_indices = #map}, {transform_indices = #map}, {transform_indices = #map}]} {
    %mul3A = arith.constant 2 : i32
    %mul3A_0 = arith.muli %arg1, %mul3A : i32
    %add3A = arith.addi %mul3A_0, %arg0 : i32
    %mul3A_1 = arith.constant 200 : i32
    %mul3A_2 = arith.muli %add3A, %mul3A_1 : i32
    "tpu.region"() ({
      %run_scoped3A = tpu.sem_alloc : memref<!tpu.dma_semaphore, #tpu.memory_space<semaphore_mem>>
      %dma_start3A_222 = arith.constant 0 : i32
      %dma_start3A_223 = tpu.memref_slice %arg2[%mul3A_2, %dma_start3A_222] : memref<6400x128xi32, #tpu.memory_space<hbm>> -> memref<200x128xi32, #tpu.memory_space<hbm>>
      %dma_start3A_224 = arith.constant 0 : i32
      %dma_start3A_225 = tpu.memref_slice %arg2[%mul3A_2, %dma_start3A_224] : memref<6400x128xi32, #tpu.memory_space<hbm>> -> memref<200x128xi32, #tpu.memory_space<hbm>>
      tpu.enqueue_dma source(%dma_start3A_225 : memref<200x128xi32, #tpu.memory_space<hbm>>) target(%arg5 : memref<200x128xi32, #tpu.memory_space<vmem>>) target_semaphore(%run_scoped3A : memref<!tpu.dma_semaphore, #tpu.memory_space<semaphore_mem>>)
      %dma_wait3A_226 = arith.constant 0 : i32
      %dma_wait3A_227 = tpu.memref_slice %arg2[%mul3A_2, %dma_wait3A_226] : memref<6400x128xi32, #tpu.memory_space<hbm>> -> memref<200x128xi32, #tpu.memory_space<hbm>>
      %dma_wait3A_228 = arith.constant 0 : i32
      %dma_wait3A_229 = tpu.memref_slice %arg2[%mul3A_2, %dma_wait3A_228] : memref<6400x128xi32, #tpu.memory_space<hbm>> -> memref<200x128xi32, #tpu.memory_space<hbm>>
      tpu.wait_dma2 semaphore(%run_scoped3A : memref<!tpu.dma_semaphore, #tpu.memory_space<semaphore_mem>>) src(%dma_wait3A_229 : memref<200x128xi32, #tpu.memory_space<hbm>>) dst(%arg5 : memref<200x128xi32, #tpu.memory_space<vmem>>)
      tpu.yield
    }) : () -> ()
    %dma_start3A = arith.constant 0 : i32
    %dma_start3A_3 = arith.constant 0 : i32
    %dma_start3A_4 = arith.constant 0 : i32
    %dma_start3A_5 = tpu.memref_slice %arg6[%dma_start3A_3, %dma_start3A_4] : memref<1024x64xf32, #tpu.memory_space<vmem>> -> memref<128x64xf32, #tpu.memory_space<vmem>>
    %dma_start3A_6 = arith.constant 0 : i32
    %dma_start3A_7 = tpu.memref_slice %arg5[%dma_start3A, %dma_start3A_6] : memref<200x128xi32, #tpu.memory_space<vmem>> -> memref<1x128xi32, #tpu.memory_space<vmem>>
    %dma_start3A_8 = tpu.memref_squeeze %dma_start3A_7 : memref<1x128xi32, #tpu.memory_space<vmem>> -> memref<128xi32, #tpu.memory_space<vmem>>
    %dma_start3A_9 = arith.constant 0 : i32
    %dma_start3A_10 = arith.constant 0 : i32
    %dma_start3A_11 = tpu.memref_slice %arg3[%dma_start3A_9, %dma_start3A_10] : memref<1000000x64xf32, #tpu.memory_space<hbm>> -> memref<1000000x64xf32, #tpu.memory_space<hbm>>
    tpu.enqueue_indirect_dma source(%dma_start3A_11 : memref<1000000x64xf32, #tpu.memory_space<hbm>>) target(%dma_start3A_5 : memref<128x64xf32, #tpu.memory_space<vmem>>) offsets(%dma_start3A_8 : memref<128xi32, #tpu.memory_space<vmem>>) semaphore(%arg7 : memref<!tpu.dma_semaphore, #tpu.memory_space<semaphore_mem>>)
    %dma_start3A_12 = arith.constant 1 : i32
    %dma_start3A_13 = arith.constant 128 : i32
    %dma_start3A_14 = arith.constant 0 : i32
    %dma_start3A_15 = tpu.memref_slice %arg6[%dma_start3A_13, %dma_start3A_14] : memref<1024x64xf32, #tpu.memory_space<vmem>> -> memref<128x64xf32, #tpu.memory_space<vmem>>
    %dma_start3A_16 = arith.constant 0 : i32
    %dma_start3A_17 = tpu.memref_slice %arg5[%dma_start3A_12, %dma_start3A_16] : memref<200x128xi32, #tpu.memory_space<vmem>> -> memref<1x128xi32, #tpu.memory_space<vmem>>
    %dma_start3A_18 = tpu.memref_squeeze %dma_start3A_17 : memref<1x128xi32, #tpu.memory_space<vmem>> -> memref<128xi32, #tpu.memory_space<vmem>>
    %dma_start3A_19 = arith.constant 0 : i32
    %dma_start3A_20 = arith.constant 0 : i32
    %dma_start3A_21 = tpu.memref_slice %arg3[%dma_start3A_19, %dma_start3A_20] : memref<1000000x64xf32, #tpu.memory_space<hbm>> -> memref<1000000x64xf32, #tpu.memory_space<hbm>>
    tpu.enqueue_indirect_dma source(%dma_start3A_21 : memref<1000000x64xf32, #tpu.memory_space<hbm>>) target(%dma_start3A_15 : memref<128x64xf32, #tpu.memory_space<vmem>>) offsets(%dma_start3A_18 : memref<128xi32, #tpu.memory_space<vmem>>) semaphore(%arg7 : memref<!tpu.dma_semaphore, #tpu.memory_space<semaphore_mem>>)
    %dma_start3A_22 = arith.constant 2 : i32
    %dma_start3A_23 = arith.constant 256 : i32
    %dma_start3A_24 = arith.constant 0 : i32
    %dma_start3A_25 = tpu.memref_slice %arg6[%dma_start3A_23, %dma_start3A_24] : memref<1024x64xf32, #tpu.memory_space<vmem>> -> memref<128x64xf32, #tpu.memory_space<vmem>>
    %dma_start3A_26 = arith.constant 0 : i32
    %dma_start3A_27 = tpu.memref_slice %arg5[%dma_start3A_22, %dma_start3A_26] : memref<200x128xi32, #tpu.memory_space<vmem>> -> memref<1x128xi32, #tpu.memory_space<vmem>>
    %dma_start3A_28 = tpu.memref_squeeze %dma_start3A_27 : memref<1x128xi32, #tpu.memory_space<vmem>> -> memref<128xi32, #tpu.memory_space<vmem>>
    %dma_start3A_29 = arith.constant 0 : i32
    %dma_start3A_30 = arith.constant 0 : i32
    %dma_start3A_31 = tpu.memref_slice %arg3[%dma_start3A_29, %dma_start3A_30] : memref<1000000x64xf32, #tpu.memory_space<hbm>> -> memref<1000000x64xf32, #tpu.memory_space<hbm>>
    tpu.enqueue_indirect_dma source(%dma_start3A_31 : memref<1000000x64xf32, #tpu.memory_space<hbm>>) target(%dma_start3A_25 : memref<128x64xf32, #tpu.memory_space<vmem>>) offsets(%dma_start3A_28 : memref<128xi32, #tpu.memory_space<vmem>>) semaphore(%arg7 : memref<!tpu.dma_semaphore, #tpu.memory_space<semaphore_mem>>)
    %dma_start3A_32 = arith.constant 3 : i32
    %dma_start3A_33 = arith.constant 384 : i32
    %dma_start3A_34 = arith.constant 0 : i32
    %dma_start3A_35 = tpu.memref_slice %arg6[%dma_start3A_33, %dma_start3A_34] : memref<1024x64xf32, #tpu.memory_space<vmem>> -> memref<128x64xf32, #tpu.memory_space<vmem>>
    %dma_start3A_36 = arith.constant 0 : i32
    %dma_start3A_37 = tpu.memref_slice %arg5[%dma_start3A_32, %dma_start3A_36] : memref<200x128xi32, #tpu.memory_space<vmem>> -> memref<1x128xi32, #tpu.memory_space<vmem>>
    %dma_start3A_38 = tpu.memref_squeeze %dma_start3A_37 : memref<1x128xi32, #tpu.memory_space<vmem>> -> memref<128xi32, #tpu.memory_space<vmem>>
    %dma_start3A_39 = arith.constant 0 : i32
    %dma_start3A_40 = arith.constant 0 : i32
    %dma_start3A_41 = tpu.memref_slice %arg3[%dma_start3A_39, %dma_start3A_40] : memref<1000000x64xf32, #tpu.memory_space<hbm>> -> memref<1000000x64xf32, #tpu.memory_space<hbm>>
    tpu.enqueue_indirect_dma source(%dma_start3A_41 : memref<1000000x64xf32, #tpu.memory_space<hbm>>) target(%dma_start3A_35 : memref<128x64xf32, #tpu.memory_space<vmem>>) offsets(%dma_start3A_38 : memref<128xi32, #tpu.memory_space<vmem>>) semaphore(%arg7 : memref<!tpu.dma_semaphore, #tpu.memory_space<semaphore_mem>>)
    %dma_start3A_42 = arith.constant 4 : i32
    %dma_start3A_43 = arith.constant 512 : i32
    %dma_start3A_44 = arith.constant 0 : i32
    %dma_start3A_45 = tpu.memref_slice %arg6[%dma_start3A_43, %dma_start3A_44] : memref<1024x64xf32, #tpu.memory_space<vmem>> -> memref<128x64xf32, #tpu.memory_space<vmem>>
    %dma_start3A_46 = arith.constant 0 : i32
    %dma_start3A_47 = tpu.memref_slice %arg5[%dma_start3A_42, %dma_start3A_46] : memref<200x128xi32, #tpu.memory_space<vmem>> -> memref<1x128xi32, #tpu.memory_space<vmem>>
    %dma_start3A_48 = tpu.memref_squeeze %dma_start3A_47 : memref<1x128xi32, #tpu.memory_space<vmem>> -> memref<128xi32, #tpu.memory_space<vmem>>
    %dma_start3A_49 = arith.constant 0 : i32
    %dma_start3A_50 = arith.constant 0 : i32
    %dma_start3A_51 = tpu.memref_slice %arg3[%dma_start3A_49, %dma_start3A_50] : memref<1000000x64xf32, #tpu.memory_space<hbm>> -> memref<1000000x64xf32, #tpu.memory_space<hbm>>
    tpu.enqueue_indirect_dma source(%dma_start3A_51 : memref<1000000x64xf32, #tpu.memory_space<hbm>>) target(%dma_start3A_45 : memref<128x64xf32, #tpu.memory_space<vmem>>) offsets(%dma_start3A_48 : memref<128xi32, #tpu.memory_space<vmem>>) semaphore(%arg8 : memref<!tpu.dma_semaphore, #tpu.memory_space<semaphore_mem>>)
    %dma_start3A_52 = arith.constant 5 : i32
    %dma_start3A_53 = arith.constant 640 : i32
    %dma_start3A_54 = arith.constant 0 : i32
    %dma_start3A_55 = tpu.memref_slice %arg6[%dma_start3A_53, %dma_start3A_54] : memref<1024x64xf32, #tpu.memory_space<vmem>> -> memref<128x64xf32, #tpu.memory_space<vmem>>
    %dma_start3A_56 = arith.constant 0 : i32
    %dma_start3A_57 = tpu.memref_slice %arg5[%dma_start3A_52, %dma_start3A_56] : memref<200x128xi32, #tpu.memory_space<vmem>> -> memref<1x128xi32, #tpu.memory_space<vmem>>
    %dma_start3A_58 = tpu.memref_squeeze %dma_start3A_57 : memref<1x128xi32, #tpu.memory_space<vmem>> -> memref<128xi32, #tpu.memory_space<vmem>>
    %dma_start3A_59 = arith.constant 0 : i32
    %dma_start3A_60 = arith.constant 0 : i32
    %dma_start3A_61 = tpu.memref_slice %arg3[%dma_start3A_59, %dma_start3A_60] : memref<1000000x64xf32, #tpu.memory_space<hbm>> -> memref<1000000x64xf32, #tpu.memory_space<hbm>>
    tpu.enqueue_indirect_dma source(%dma_start3A_61 : memref<1000000x64xf32, #tpu.memory_space<hbm>>) target(%dma_start3A_55 : memref<128x64xf32, #tpu.memory_space<vmem>>) offsets(%dma_start3A_58 : memref<128xi32, #tpu.memory_space<vmem>>) semaphore(%arg8 : memref<!tpu.dma_semaphore, #tpu.memory_space<semaphore_mem>>)
    %dma_start3A_62 = arith.constant 6 : i32
    %dma_start3A_63 = arith.constant 768 : i32
    %dma_start3A_64 = arith.constant 0 : i32
    %dma_start3A_65 = tpu.memref_slice %arg6[%dma_start3A_63, %dma_start3A_64] : memref<1024x64xf32, #tpu.memory_space<vmem>> -> memref<128x64xf32, #tpu.memory_space<vmem>>
    %dma_start3A_66 = arith.constant 0 : i32
    %dma_start3A_67 = tpu.memref_slice %arg5[%dma_start3A_62, %dma_start3A_66] : memref<200x128xi32, #tpu.memory_space<vmem>> -> memref<1x128xi32, #tpu.memory_space<vmem>>
    %dma_start3A_68 = tpu.memref_squeeze %dma_start3A_67 : memref<1x128xi32, #tpu.memory_space<vmem>> -> memref<128xi32, #tpu.memory_space<vmem>>
    %dma_start3A_69 = arith.constant 0 : i32
    %dma_start3A_70 = arith.constant 0 : i32
    %dma_start3A_71 = tpu.memref_slice %arg3[%dma_start3A_69, %dma_start3A_70] : memref<1000000x64xf32, #tpu.memory_space<hbm>> -> memref<1000000x64xf32, #tpu.memory_space<hbm>>
    tpu.enqueue_indirect_dma source(%dma_start3A_71 : memref<1000000x64xf32, #tpu.memory_space<hbm>>) target(%dma_start3A_65 : memref<128x64xf32, #tpu.memory_space<vmem>>) offsets(%dma_start3A_68 : memref<128xi32, #tpu.memory_space<vmem>>) semaphore(%arg8 : memref<!tpu.dma_semaphore, #tpu.memory_space<semaphore_mem>>)
    %dma_start3A_72 = arith.constant 7 : i32
    %dma_start3A_73 = arith.constant 896 : i32
    %dma_start3A_74 = arith.constant 0 : i32
    %dma_start3A_75 = tpu.memref_slice %arg6[%dma_start3A_73, %dma_start3A_74] : memref<1024x64xf32, #tpu.memory_space<vmem>> -> memref<128x64xf32, #tpu.memory_space<vmem>>
    %dma_start3A_76 = arith.constant 0 : i32
    %dma_start3A_77 = tpu.memref_slice %arg5[%dma_start3A_72, %dma_start3A_76] : memref<200x128xi32, #tpu.memory_space<vmem>> -> memref<1x128xi32, #tpu.memory_space<vmem>>
    %dma_start3A_78 = tpu.memref_squeeze %dma_start3A_77 : memref<1x128xi32, #tpu.memory_space<vmem>> -> memref<128xi32, #tpu.memory_space<vmem>>
    %dma_start3A_79 = arith.constant 0 : i32
    %dma_start3A_80 = arith.constant 0 : i32
    %dma_start3A_81 = tpu.memref_slice %arg3[%dma_start3A_79, %dma_start3A_80] : memref<1000000x64xf32, #tpu.memory_space<hbm>> -> memref<1000000x64xf32, #tpu.memory_space<hbm>>
    tpu.enqueue_indirect_dma source(%dma_start3A_81 : memref<1000000x64xf32, #tpu.memory_space<hbm>>) target(%dma_start3A_75 : memref<128x64xf32, #tpu.memory_space<vmem>>) offsets(%dma_start3A_78 : memref<128xi32, #tpu.memory_space<vmem>>) semaphore(%arg8 : memref<!tpu.dma_semaphore, #tpu.memory_space<semaphore_mem>>)
    %dma_wait3A = arith.constant 0 : i32
    %dma_wait3A_82 = arith.constant 0 : i32
    %dma_wait3A_83 = arith.constant 0 : i32
    %dma_wait3A_84 = tpu.memref_slice %arg6[%dma_wait3A_82, %dma_wait3A_83] : memref<1024x64xf32, #tpu.memory_space<vmem>> -> memref<128x64xf32, #tpu.memory_space<vmem>>
    %dma_wait3A_85 = arith.constant 0 : i32
    %dma_wait3A_86 = tpu.memref_slice %arg5[%dma_wait3A, %dma_wait3A_85] : memref<200x128xi32, #tpu.memory_space<vmem>> -> memref<1x128xi32, #tpu.memory_space<vmem>>
    %dma_wait3A_87 = tpu.memref_squeeze %dma_wait3A_86 : memref<1x128xi32, #tpu.memory_space<vmem>> -> memref<128xi32, #tpu.memory_space<vmem>>
    %dma_wait3A_88 = arith.constant 0 : i32
    %dma_wait3A_89 = arith.constant 0 : i32
    %dma_wait3A_90 = tpu.memref_slice %arg3[%dma_wait3A_88, %dma_wait3A_89] : memref<1000000x64xf32, #tpu.memory_space<hbm>> -> memref<1000000x64xf32, #tpu.memory_space<hbm>>
    tpu.wait_indirect_dma semaphore(%arg7 : memref<!tpu.dma_semaphore, #tpu.memory_space<semaphore_mem>>) src(%dma_wait3A_90 : memref<1000000x64xf32, #tpu.memory_space<hbm>>) dst(%dma_wait3A_84 : memref<128x64xf32, #tpu.memory_space<vmem>>)
    %dma_wait3A_91 = arith.constant 1 : i32
    %dma_wait3A_92 = arith.constant 128 : i32
    %dma_wait3A_93 = arith.constant 0 : i32
    %dma_wait3A_94 = tpu.memref_slice %arg6[%dma_wait3A_92, %dma_wait3A_93] : memref<1024x64xf32, #tpu.memory_space<vmem>> -> memref<128x64xf32, #tpu.memory_space<vmem>>
    %dma_wait3A_95 = arith.constant 0 : i32
    %dma_wait3A_96 = tpu.memref_slice %arg5[%dma_wait3A_91, %dma_wait3A_95] : memref<200x128xi32, #tpu.memory_space<vmem>> -> memref<1x128xi32, #tpu.memory_space<vmem>>
    %dma_wait3A_97 = tpu.memref_squeeze %dma_wait3A_96 : memref<1x128xi32, #tpu.memory_space<vmem>> -> memref<128xi32, #tpu.memory_space<vmem>>
    %dma_wait3A_98 = arith.constant 0 : i32
    %dma_wait3A_99 = arith.constant 0 : i32
    %dma_wait3A_100 = tpu.memref_slice %arg3[%dma_wait3A_98, %dma_wait3A_99] : memref<1000000x64xf32, #tpu.memory_space<hbm>> -> memref<1000000x64xf32, #tpu.memory_space<hbm>>
    tpu.wait_indirect_dma semaphore(%arg7 : memref<!tpu.dma_semaphore, #tpu.memory_space<semaphore_mem>>) src(%dma_wait3A_100 : memref<1000000x64xf32, #tpu.memory_space<hbm>>) dst(%dma_wait3A_94 : memref<128x64xf32, #tpu.memory_space<vmem>>)
    %dma_wait3A_101 = arith.constant 2 : i32
    %dma_wait3A_102 = arith.constant 256 : i32
    %dma_wait3A_103 = arith.constant 0 : i32
    %dma_wait3A_104 = tpu.memref_slice %arg6[%dma_wait3A_102, %dma_wait3A_103] : memref<1024x64xf32, #tpu.memory_space<vmem>> -> memref<128x64xf32, #tpu.memory_space<vmem>>
    %dma_wait3A_105 = arith.constant 0 : i32
    %dma_wait3A_106 = tpu.memref_slice %arg5[%dma_wait3A_101, %dma_wait3A_105] : memref<200x128xi32, #tpu.memory_space<vmem>> -> memref<1x128xi32, #tpu.memory_space<vmem>>
    %dma_wait3A_107 = tpu.memref_squeeze %dma_wait3A_106 : memref<1x128xi32, #tpu.memory_space<vmem>> -> memref<128xi32, #tpu.memory_space<vmem>>
    %dma_wait3A_108 = arith.constant 0 : i32
    %dma_wait3A_109 = arith.constant 0 : i32
    %dma_wait3A_110 = tpu.memref_slice %arg3[%dma_wait3A_108, %dma_wait3A_109] : memref<1000000x64xf32, #tpu.memory_space<hbm>> -> memref<1000000x64xf32, #tpu.memory_space<hbm>>
    tpu.wait_indirect_dma semaphore(%arg7 : memref<!tpu.dma_semaphore, #tpu.memory_space<semaphore_mem>>) src(%dma_wait3A_110 : memref<1000000x64xf32, #tpu.memory_space<hbm>>) dst(%dma_wait3A_104 : memref<128x64xf32, #tpu.memory_space<vmem>>)
    %dma_wait3A_111 = arith.constant 3 : i32
    %dma_wait3A_112 = arith.constant 384 : i32
    %dma_wait3A_113 = arith.constant 0 : i32
    %dma_wait3A_114 = tpu.memref_slice %arg6[%dma_wait3A_112, %dma_wait3A_113] : memref<1024x64xf32, #tpu.memory_space<vmem>> -> memref<128x64xf32, #tpu.memory_space<vmem>>
    %dma_wait3A_115 = arith.constant 0 : i32
    %dma_wait3A_116 = tpu.memref_slice %arg5[%dma_wait3A_111, %dma_wait3A_115] : memref<200x128xi32, #tpu.memory_space<vmem>> -> memref<1x128xi32, #tpu.memory_space<vmem>>
    %dma_wait3A_117 = tpu.memref_squeeze %dma_wait3A_116 : memref<1x128xi32, #tpu.memory_space<vmem>> -> memref<128xi32, #tpu.memory_space<vmem>>
    %dma_wait3A_118 = arith.constant 0 : i32
    %dma_wait3A_119 = arith.constant 0 : i32
    %dma_wait3A_120 = tpu.memref_slice %arg3[%dma_wait3A_118, %dma_wait3A_119] : memref<1000000x64xf32, #tpu.memory_space<hbm>> -> memref<1000000x64xf32, #tpu.memory_space<hbm>>
    tpu.wait_indirect_dma semaphore(%arg7 : memref<!tpu.dma_semaphore, #tpu.memory_space<semaphore_mem>>) src(%dma_wait3A_120 : memref<1000000x64xf32, #tpu.memory_space<hbm>>) dst(%dma_wait3A_114 : memref<128x64xf32, #tpu.memory_space<vmem>>)
    %mul3A_121 = arith.constant 25600 : i32
    %mul3A_122 = arith.muli %add3A, %mul3A_121 : i32
    %add3A_123 = arith.constant 0 : i32
    %add3A_124 = arith.addi %mul3A_122, %add3A_123 : i32
    %dma_start3A_125 = arith.constant 0 : i32
    %dma_start3A_126 = arith.constant 0 : i32
    %dma_start3A_127 = tpu.memref_slice %arg6[%dma_start3A_125, %dma_start3A_126] : memref<1024x64xf32, #tpu.memory_space<vmem>> -> memref<512x64xf32, #tpu.memory_space<vmem>>
    %dma_start3A_128 = arith.constant 0 : i32
    %dma_start3A_129 = tpu.memref_slice %arg4[%add3A_124, %dma_start3A_128] : memref<819200x64xf32, #tpu.memory_space<hbm>> -> memref<512x64xf32, #tpu.memory_space<hbm>>
    %dma_start3A_130 = arith.constant 0 : i32
    %dma_start3A_131 = tpu.memref_slice %arg4[%add3A_124, %dma_start3A_130] : memref<819200x64xf32, #tpu.memory_space<hbm>> -> memref<512x64xf32, #tpu.memory_space<hbm>>
    %dma_start3A_132 = arith.constant 0 : i32
    %dma_start3A_133 = arith.constant 0 : i32
    %dma_start3A_134 = tpu.memref_slice %arg6[%dma_start3A_132, %dma_start3A_133] : memref<1024x64xf32, #tpu.memory_space<vmem>> -> memref<512x64xf32, #tpu.memory_space<vmem>>
    tpu.enqueue_dma source(%dma_start3A_134 : memref<512x64xf32, #tpu.memory_space<vmem>>) target(%dma_start3A_131 : memref<512x64xf32, #tpu.memory_space<hbm>>) target_semaphore(%arg9 : memref<!tpu.dma_semaphore, #tpu.memory_space<semaphore_mem>>)
    %scan3A = arith.constant 0 : i32
    %scan3A_135 = arith.constant 0 : i32
    %scan3A_136 = arith.constant 24 : i32
    %scan3A_137 = arith.addi %scan3A_135, %scan3A_136 : i32
    %scan3A_138 = arith.constant 1 : i32
    scf.for %scan3A_222 = %scan3A_135 to %scan3A_137 step %scan3A_138  : i32 {
      %mul3A_223 = arith.constant 2 : i32
      %mul3A_224 = arith.muli %mul3A_223, %scan3A_222 : i32
      %add3A_225 = arith.constant 1 : i32
      %add3A_226 = arith.addi %mul3A_224, %add3A_225 : i32
      %add3A_227 = arith.constant 0 : i32
      %add3A_228 = arith.addi %add3A_226, %add3A_227 : i32
      %sub3A = arith.constant 1 : i32
      %sub3A_229 = arith.subi %add3A_228, %sub3A : i32
      %mul3A_230 = arith.constant 25600 : i32
      %mul3A_231 = arith.muli %add3A, %mul3A_230 : i32
      %mul3A_232 = arith.constant 512 : i32
      %mul3A_233 = arith.muli %sub3A_229, %mul3A_232 : i32
      %add3A_234 = arith.addi %mul3A_231, %mul3A_233 : i32
      %dma_wait3A_235 = arith.constant 0 : i32
      %dma_wait3A_236 = arith.constant 0 : i32
      %dma_wait3A_237 = tpu.memref_slice %arg6[%dma_wait3A_235, %dma_wait3A_236] : memref<1024x64xf32, #tpu.memory_space<vmem>> -> memref<512x64xf32, #tpu.memory_space<vmem>>
      %dma_wait3A_238 = arith.constant 0 : i32
      %dma_wait3A_239 = tpu.memref_slice %arg4[%add3A_234, %dma_wait3A_238] : memref<819200x64xf32, #tpu.memory_space<hbm>> -> memref<512x64xf32, #tpu.memory_space<hbm>>
      %dma_wait3A_240 = arith.constant 0 : i32
      %dma_wait3A_241 = tpu.memref_slice %arg4[%add3A_234, %dma_wait3A_240] : memref<819200x64xf32, #tpu.memory_space<hbm>> -> memref<512x64xf32, #tpu.memory_space<hbm>>
      %dma_wait3A_242 = arith.constant 0 : i32
      %dma_wait3A_243 = arith.constant 0 : i32
      %dma_wait3A_244 = tpu.memref_slice %arg6[%dma_wait3A_242, %dma_wait3A_243] : memref<1024x64xf32, #tpu.memory_space<vmem>> -> memref<512x64xf32, #tpu.memory_space<vmem>>
      tpu.wait_dma2 semaphore(%arg9 : memref<!tpu.dma_semaphore, #tpu.memory_space<semaphore_mem>>) src(%dma_wait3A_244 : memref<512x64xf32, #tpu.memory_space<vmem>>) dst(%dma_wait3A_241 : memref<512x64xf32, #tpu.memory_space<hbm>>)
      %add3A_245 = arith.constant 1 : i32
      %add3A_246 = arith.addi %add3A_228, %add3A_245 : i32
      %mul3A_247 = arith.constant 4 : i32
      %mul3A_248 = arith.muli %add3A_246, %mul3A_247 : i32
      %add3A_249 = arith.constant 0 : i32
      %add3A_250 = arith.addi %mul3A_248, %add3A_249 : i32
      %mul3A_251 = arith.constant 4 : i32
      %mul3A_252 = arith.muli %add3A_246, %mul3A_251 : i32
      %add3A_253 = arith.constant 1 : i32
      %add3A_254 = arith.addi %mul3A_252, %add3A_253 : i32
      %mul3A_255 = arith.constant 4 : i32
      %mul3A_256 = arith.muli %add3A_246, %mul3A_255 : i32
      %add3A_257 = arith.constant 2 : i32
      %add3A_258 = arith.addi %mul3A_256, %add3A_257 : i32
      %mul3A_259 = arith.constant 4 : i32
      %mul3A_260 = arith.muli %add3A_246, %mul3A_259 : i32
      %add3A_261 = arith.constant 3 : i32
      %add3A_262 = arith.addi %mul3A_260, %add3A_261 : i32
      %dma_start3A_263 = arith.constant 0 : i32
      %dma_start3A_264 = arith.constant 0 : i32
      %dma_start3A_265 = tpu.memref_slice %arg6[%dma_start3A_263, %dma_start3A_264] : memref<1024x64xf32, #tpu.memory_space<vmem>> -> memref<128x64xf32, #tpu.memory_space<vmem>>
      %dma_start3A_266 = arith.constant 0 : i32
      %dma_start3A_267 = tpu.memref_slice %arg5[%add3A_250, %dma_start3A_266] : memref<200x128xi32, #tpu.memory_space<vmem>> -> memref<1x128xi32, #tpu.memory_space<vmem>>
      %dma_start3A_268 = tpu.memref_squeeze %dma_start3A_267 : memref<1x128xi32, #tpu.memory_space<vmem>> -> memref<128xi32, #tpu.memory_space<vmem>>
      %dma_start3A_269 = arith.constant 0 : i32
      %dma_start3A_270 = arith.constant 0 : i32
      %dma_start3A_271 = tpu.memref_slice %arg3[%dma_start3A_269, %dma_start3A_270] : memref<1000000x64xf32, #tpu.memory_space<hbm>> -> memref<1000000x64xf32, #tpu.memory_space<hbm>>
      tpu.enqueue_indirect_dma source(%dma_start3A_271 : memref<1000000x64xf32, #tpu.memory_space<hbm>>) target(%dma_start3A_265 : memref<128x64xf32, #tpu.memory_space<vmem>>) offsets(%dma_start3A_268 : memref<128xi32, #tpu.memory_space<vmem>>) semaphore(%arg7 : memref<!tpu.dma_semaphore, #tpu.memory_space<semaphore_mem>>)
      %dma_start3A_272 = arith.constant 128 : i32
      %dma_start3A_273 = arith.constant 0 : i32
      %dma_start3A_274 = tpu.memref_slice %arg6[%dma_start3A_272, %dma_start3A_273] : memref<1024x64xf32, #tpu.memory_space<vmem>> -> memref<128x64xf32, #tpu.memory_space<vmem>>
      %dma_start3A_275 = arith.constant 0 : i32
      %dma_start3A_276 = tpu.memref_slice %arg5[%add3A_254, %dma_start3A_275] : memref<200x128xi32, #tpu.memory_space<vmem>> -> memref<1x128xi32, #tpu.memory_space<vmem>>
      %dma_start3A_277 = tpu.memref_squeeze %dma_start3A_276 : memref<1x128xi32, #tpu.memory_space<vmem>> -> memref<128xi32, #tpu.memory_space<vmem>>
      %dma_start3A_278 = arith.constant 0 : i32
      %dma_start3A_279 = arith.constant 0 : i32
      %dma_start3A_280 = tpu.memref_slice %arg3[%dma_start3A_278, %dma_start3A_279] : memref<1000000x64xf32, #tpu.memory_space<hbm>> -> memref<1000000x64xf32, #tpu.memory_space<hbm>>
      tpu.enqueue_indirect_dma source(%dma_start3A_280 : memref<1000000x64xf32, #tpu.memory_space<hbm>>) target(%dma_start3A_274 : memref<128x64xf32, #tpu.memory_space<vmem>>) offsets(%dma_start3A_277 : memref<128xi32, #tpu.memory_space<vmem>>) semaphore(%arg7 : memref<!tpu.dma_semaphore, #tpu.memory_space<semaphore_mem>>)
      %dma_start3A_281 = arith.constant 256 : i32
      %dma_start3A_282 = arith.constant 0 : i32
      %dma_start3A_283 = tpu.memref_slice %arg6[%dma_start3A_281, %dma_start3A_282] : memref<1024x64xf32, #tpu.memory_space<vmem>> -> memref<128x64xf32, #tpu.memory_space<vmem>>
      %dma_start3A_284 = arith.constant 0 : i32
      %dma_start3A_285 = tpu.memref_slice %arg5[%add3A_258, %dma_start3A_284] : memref<200x128xi32, #tpu.memory_space<vmem>> -> memref<1x128xi32, #tpu.memory_space<vmem>>
      %dma_start3A_286 = tpu.memref_squeeze %dma_start3A_285 : memref<1x128xi32, #tpu.memory_space<vmem>> -> memref<128xi32, #tpu.memory_space<vmem>>
      %dma_start3A_287 = arith.constant 0 : i32
      %dma_start3A_288 = arith.constant 0 : i32
      %dma_start3A_289 = tpu.memref_slice %arg3[%dma_start3A_287, %dma_start3A_288] : memref<1000000x64xf32, #tpu.memory_space<hbm>> -> memref<1000000x64xf32, #tpu.memory_space<hbm>>
      tpu.enqueue_indirect_dma source(%dma_start3A_289 : memref<1000000x64xf32, #tpu.memory_space<hbm>>) target(%dma_start3A_283 : memref<128x64xf32, #tpu.memory_space<vmem>>) offsets(%dma_start3A_286 : memref<128xi32, #tpu.memory_space<vmem>>) semaphore(%arg7 : memref<!tpu.dma_semaphore, #tpu.memory_space<semaphore_mem>>)
      %dma_start3A_290 = arith.constant 384 : i32
      %dma_start3A_291 = arith.constant 0 : i32
      %dma_start3A_292 = tpu.memref_slice %arg6[%dma_start3A_290, %dma_start3A_291] : memref<1024x64xf32, #tpu.memory_space<vmem>> -> memref<128x64xf32, #tpu.memory_space<vmem>>
      %dma_start3A_293 = arith.constant 0 : i32
      %dma_start3A_294 = tpu.memref_slice %arg5[%add3A_262, %dma_start3A_293] : memref<200x128xi32, #tpu.memory_space<vmem>> -> memref<1x128xi32, #tpu.memory_space<vmem>>
      %dma_start3A_295 = tpu.memref_squeeze %dma_start3A_294 : memref<1x128xi32, #tpu.memory_space<vmem>> -> memref<128xi32, #tpu.memory_space<vmem>>
      %dma_start3A_296 = arith.constant 0 : i32
      %dma_start3A_297 = arith.constant 0 : i32
      %dma_start3A_298 = tpu.memref_slice %arg3[%dma_start3A_296, %dma_start3A_297] : memref<1000000x64xf32, #tpu.memory_space<hbm>> -> memref<1000000x64xf32, #tpu.memory_space<hbm>>
      tpu.enqueue_indirect_dma source(%dma_start3A_298 : memref<1000000x64xf32, #tpu.memory_space<hbm>>) target(%dma_start3A_292 : memref<128x64xf32, #tpu.memory_space<vmem>>) offsets(%dma_start3A_295 : memref<128xi32, #tpu.memory_space<vmem>>) semaphore(%arg7 : memref<!tpu.dma_semaphore, #tpu.memory_space<semaphore_mem>>)
      %mul3A_299 = arith.constant 4 : i32
      %mul3A_300 = arith.muli %add3A_228, %mul3A_299 : i32
      %add3A_301 = arith.constant 0 : i32
      %add3A_302 = arith.addi %mul3A_300, %add3A_301 : i32
      %mul3A_303 = arith.constant 4 : i32
      %mul3A_304 = arith.muli %add3A_228, %mul3A_303 : i32
      %add3A_305 = arith.constant 1 : i32
      %add3A_306 = arith.addi %mul3A_304, %add3A_305 : i32
      %mul3A_307 = arith.constant 4 : i32
      %mul3A_308 = arith.muli %add3A_228, %mul3A_307 : i32
      %add3A_309 = arith.constant 2 : i32
      %add3A_310 = arith.addi %mul3A_308, %add3A_309 : i32
      %mul3A_311 = arith.constant 4 : i32
      %mul3A_312 = arith.muli %add3A_228, %mul3A_311 : i32
      %add3A_313 = arith.constant 3 : i32
      %add3A_314 = arith.addi %mul3A_312, %add3A_313 : i32
      %dma_wait3A_315 = arith.constant 512 : i32
      %dma_wait3A_316 = arith.constant 0 : i32
      %dma_wait3A_317 = tpu.memref_slice %arg6[%dma_wait3A_315, %dma_wait3A_316] : memref<1024x64xf32, #tpu.memory_space<vmem>> -> memref<128x64xf32, #tpu.memory_space<vmem>>
      %dma_wait3A_318 = arith.constant 0 : i32
      %dma_wait3A_319 = tpu.memref_slice %arg5[%add3A_302, %dma_wait3A_318] : memref<200x128xi32, #tpu.memory_space<vmem>> -> memref<1x128xi32, #tpu.memory_space<vmem>>
      %dma_wait3A_320 = tpu.memref_squeeze %dma_wait3A_319 : memref<1x128xi32, #tpu.memory_space<vmem>> -> memref<128xi32, #tpu.memory_space<vmem>>
      %dma_wait3A_321 = arith.constant 0 : i32
      %dma_wait3A_322 = arith.constant 0 : i32
      %dma_wait3A_323 = tpu.memref_slice %arg3[%dma_wait3A_321, %dma_wait3A_322] : memref<1000000x64xf32, #tpu.memory_space<hbm>> -> memref<1000000x64xf32, #tpu.memory_space<hbm>>
      tpu.wait_indirect_dma semaphore(%arg8 : memref<!tpu.dma_semaphore, #tpu.memory_space<semaphore_mem>>) src(%dma_wait3A_323 : memref<1000000x64xf32, #tpu.memory_space<hbm>>) dst(%dma_wait3A_317 : memref<128x64xf32, #tpu.memory_space<vmem>>)
      %dma_wait3A_324 = arith.constant 640 : i32
      %dma_wait3A_325 = arith.constant 0 : i32
      %dma_wait3A_326 = tpu.memref_slice %arg6[%dma_wait3A_324, %dma_wait3A_325] : memref<1024x64xf32, #tpu.memory_space<vmem>> -> memref<128x64xf32, #tpu.memory_space<vmem>>
      %dma_wait3A_327 = arith.constant 0 : i32
      %dma_wait3A_328 = tpu.memref_slice %arg5[%add3A_306, %dma_wait3A_327] : memref<200x128xi32, #tpu.memory_space<vmem>> -> memref<1x128xi32, #tpu.memory_space<vmem>>
      %dma_wait3A_329 = tpu.memref_squeeze %dma_wait3A_328 : memref<1x128xi32, #tpu.memory_space<vmem>> -> memref<128xi32, #tpu.memory_space<vmem>>
      %dma_wait3A_330 = arith.constant 0 : i32
      %dma_wait3A_331 = arith.constant 0 : i32
      %dma_wait3A_332 = tpu.memref_slice %arg3[%dma_wait3A_330, %dma_wait3A_331] : memref<1000000x64xf32, #tpu.memory_space<hbm>> -> memref<1000000x64xf32, #tpu.memory_space<hbm>>
      tpu.wait_indirect_dma semaphore(%arg8 : memref<!tpu.dma_semaphore, #tpu.memory_space<semaphore_mem>>) src(%dma_wait3A_332 : memref<1000000x64xf32, #tpu.memory_space<hbm>>) dst(%dma_wait3A_326 : memref<128x64xf32, #tpu.memory_space<vmem>>)
      %dma_wait3A_333 = arith.constant 768 : i32
      %dma_wait3A_334 = arith.constant 0 : i32
      %dma_wait3A_335 = tpu.memref_slice %arg6[%dma_wait3A_333, %dma_wait3A_334] : memref<1024x64xf32, #tpu.memory_space<vmem>> -> memref<128x64xf32, #tpu.memory_space<vmem>>
      %dma_wait3A_336 = arith.constant 0 : i32
      %dma_wait3A_337 = tpu.memref_slice %arg5[%add3A_310, %dma_wait3A_336] : memref<200x128xi32, #tpu.memory_space<vmem>> -> memref<1x128xi32, #tpu.memory_space<vmem>>
      %dma_wait3A_338 = tpu.memref_squeeze %dma_wait3A_337 : memref<1x128xi32, #tpu.memory_space<vmem>> -> memref<128xi32, #tpu.memory_space<vmem>>
      %dma_wait3A_339 = arith.constant 0 : i32
      %dma_wait3A_340 = arith.constant 0 : i32
      %dma_wait3A_341 = tpu.memref_slice %arg3[%dma_wait3A_339, %dma_wait3A_340] : memref<1000000x64xf32, #tpu.memory_space<hbm>> -> memref<1000000x64xf32, #tpu.memory_space<hbm>>
      tpu.wait_indirect_dma semaphore(%arg8 : memref<!tpu.dma_semaphore, #tpu.memory_space<semaphore_mem>>) src(%dma_wait3A_341 : memref<1000000x64xf32, #tpu.memory_space<hbm>>) dst(%dma_wait3A_335 : memref<128x64xf32, #tpu.memory_space<vmem>>)
      %dma_wait3A_342 = arith.constant 896 : i32
      %dma_wait3A_343 = arith.constant 0 : i32
      %dma_wait3A_344 = tpu.memref_slice %arg6[%dma_wait3A_342, %dma_wait3A_343] : memref<1024x64xf32, #tpu.memory_space<vmem>> -> memref<128x64xf32, #tpu.memory_space<vmem>>
      %dma_wait3A_345 = arith.constant 0 : i32
      %dma_wait3A_346 = tpu.memref_slice %arg5[%add3A_314, %dma_wait3A_345] : memref<200x128xi32, #tpu.memory_space<vmem>> -> memref<1x128xi32, #tpu.memory_space<vmem>>
      %dma_wait3A_347 = tpu.memref_squeeze %dma_wait3A_346 : memref<1x128xi32, #tpu.memory_space<vmem>> -> memref<128xi32, #tpu.memory_space<vmem>>
      %dma_wait3A_348 = arith.constant 0 : i32
      %dma_wait3A_349 = arith.constant 0 : i32
      %dma_wait3A_350 = tpu.memref_slice %arg3[%dma_wait3A_348, %dma_wait3A_349] : memref<1000000x64xf32, #tpu.memory_space<hbm>> -> memref<1000000x64xf32, #tpu.memory_space<hbm>>
      tpu.wait_indirect_dma semaphore(%arg8 : memref<!tpu.dma_semaphore, #tpu.memory_space<semaphore_mem>>) src(%dma_wait3A_350 : memref<1000000x64xf32, #tpu.memory_space<hbm>>) dst(%dma_wait3A_344 : memref<128x64xf32, #tpu.memory_space<vmem>>)
      %mul3A_351 = arith.constant 25600 : i32
      %mul3A_352 = arith.muli %add3A, %mul3A_351 : i32
      %mul3A_353 = arith.constant 512 : i32
      %mul3A_354 = arith.muli %add3A_228, %mul3A_353 : i32
      %add3A_355 = arith.addi %mul3A_352, %mul3A_354 : i32
      %dma_start3A_356 = arith.constant 512 : i32
      %dma_start3A_357 = arith.constant 0 : i32
      %dma_start3A_358 = tpu.memref_slice %arg6[%dma_start3A_356, %dma_start3A_357] : memref<1024x64xf32, #tpu.memory_space<vmem>> -> memref<512x64xf32, #tpu.memory_space<vmem>>
      %dma_start3A_359 = arith.constant 0 : i32
      %dma_start3A_360 = tpu.memref_slice %arg4[%add3A_355, %dma_start3A_359] : memref<819200x64xf32, #tpu.memory_space<hbm>> -> memref<512x64xf32, #tpu.memory_space<hbm>>
      %dma_start3A_361 = arith.constant 0 : i32
      %dma_start3A_362 = tpu.memref_slice %arg4[%add3A_355, %dma_start3A_361] : memref<819200x64xf32, #tpu.memory_space<hbm>> -> memref<512x64xf32, #tpu.memory_space<hbm>>
      %dma_start3A_363 = arith.constant 512 : i32
      %dma_start3A_364 = arith.constant 0 : i32
      %dma_start3A_365 = tpu.memref_slice %arg6[%dma_start3A_363, %dma_start3A_364] : memref<1024x64xf32, #tpu.memory_space<vmem>> -> memref<512x64xf32, #tpu.memory_space<vmem>>
      tpu.enqueue_dma source(%dma_start3A_365 : memref<512x64xf32, #tpu.memory_space<vmem>>) target(%dma_start3A_362 : memref<512x64xf32, #tpu.memory_space<hbm>>) target_semaphore(%arg10 : memref<!tpu.dma_semaphore, #tpu.memory_space<semaphore_mem>>)
      %mul3A_366 = arith.constant 2 : i32
      %mul3A_367 = arith.muli %mul3A_366, %scan3A_222 : i32
      %add3A_368 = arith.constant 1 : i32
      %add3A_369 = arith.addi %mul3A_367, %add3A_368 : i32
      %add3A_370 = arith.constant 1 : i32
      %add3A_371 = arith.addi %add3A_369, %add3A_370 : i32
      %sub3A_372 = arith.constant 1 : i32
      %sub3A_373 = arith.subi %add3A_371, %sub3A_372 : i32
      %mul3A_374 = arith.constant 25600 : i32
      %mul3A_375 = arith.muli %add3A, %mul3A_374 : i32
      %mul3A_376 = arith.constant 512 : i32
      %mul3A_377 = arith.muli %sub3A_373, %mul3A_376 : i32
      %add3A_378 = arith.addi %mul3A_375, %mul3A_377 : i32
      %dma_wait3A_379 = arith.constant 512 : i32
      %dma_wait3A_380 = arith.constant 0 : i32
      %dma_wait3A_381 = tpu.memref_slice %arg6[%dma_wait3A_379, %dma_wait3A_380] : memref<1024x64xf32, #tpu.memory_space<vmem>> -> memref<512x64xf32, #tpu.memory_space<vmem>>
      %dma_wait3A_382 = arith.constant 0 : i32
      %dma_wait3A_383 = tpu.memref_slice %arg4[%add3A_378, %dma_wait3A_382] : memref<819200x64xf32, #tpu.memory_space<hbm>> -> memref<512x64xf32, #tpu.memory_space<hbm>>
      %dma_wait3A_384 = arith.constant 0 : i32
      %dma_wait3A_385 = tpu.memref_slice %arg4[%add3A_378, %dma_wait3A_384] : memref<819200x64xf32, #tpu.memory_space<hbm>> -> memref<512x64xf32, #tpu.memory_space<hbm>>
      %dma_wait3A_386 = arith.constant 512 : i32
      %dma_wait3A_387 = arith.constant 0 : i32
      %dma_wait3A_388 = tpu.memref_slice %arg6[%dma_wait3A_386, %dma_wait3A_387] : memref<1024x64xf32, #tpu.memory_space<vmem>> -> memref<512x64xf32, #tpu.memory_space<vmem>>
      tpu.wait_dma2 semaphore(%arg10 : memref<!tpu.dma_semaphore, #tpu.memory_space<semaphore_mem>>) src(%dma_wait3A_388 : memref<512x64xf32, #tpu.memory_space<vmem>>) dst(%dma_wait3A_385 : memref<512x64xf32, #tpu.memory_space<hbm>>)
      %add3A_389 = arith.constant 1 : i32
      %add3A_390 = arith.addi %add3A_371, %add3A_389 : i32
      %mul3A_391 = arith.constant 4 : i32
      %mul3A_392 = arith.muli %add3A_390, %mul3A_391 : i32
      %add3A_393 = arith.constant 0 : i32
      %add3A_394 = arith.addi %mul3A_392, %add3A_393 : i32
      %mul3A_395 = arith.constant 4 : i32
      %mul3A_396 = arith.muli %add3A_390, %mul3A_395 : i32
      %add3A_397 = arith.constant 1 : i32
      %add3A_398 = arith.addi %mul3A_396, %add3A_397 : i32
      %mul3A_399 = arith.constant 4 : i32
      %mul3A_400 = arith.muli %add3A_390, %mul3A_399 : i32
      %add3A_401 = arith.constant 2 : i32
      %add3A_402 = arith.addi %mul3A_400, %add3A_401 : i32
      %mul3A_403 = arith.constant 4 : i32
      %mul3A_404 = arith.muli %add3A_390, %mul3A_403 : i32
      %add3A_405 = arith.constant 3 : i32
      %add3A_406 = arith.addi %mul3A_404, %add3A_405 : i32
      %dma_start3A_407 = arith.constant 512 : i32
      %dma_start3A_408 = arith.constant 0 : i32
      %dma_start3A_409 = tpu.memref_slice %arg6[%dma_start3A_407, %dma_start3A_408] : memref<1024x64xf32, #tpu.memory_space<vmem>> -> memref<128x64xf32, #tpu.memory_space<vmem>>
      %dma_start3A_410 = arith.constant 0 : i32
      %dma_start3A_411 = tpu.memref_slice %arg5[%add3A_394, %dma_start3A_410] : memref<200x128xi32, #tpu.memory_space<vmem>> -> memref<1x128xi32, #tpu.memory_space<vmem>>
      %dma_start3A_412 = tpu.memref_squeeze %dma_start3A_411 : memref<1x128xi32, #tpu.memory_space<vmem>> -> memref<128xi32, #tpu.memory_space<vmem>>
      %dma_start3A_413 = arith.constant 0 : i32
      %dma_start3A_414 = arith.constant 0 : i32
      %dma_start3A_415 = tpu.memref_slice %arg3[%dma_start3A_413, %dma_start3A_414] : memref<1000000x64xf32, #tpu.memory_space<hbm>> -> memref<1000000x64xf32, #tpu.memory_space<hbm>>
      tpu.enqueue_indirect_dma source(%dma_start3A_415 : memref<1000000x64xf32, #tpu.memory_space<hbm>>) target(%dma_start3A_409 : memref<128x64xf32, #tpu.memory_space<vmem>>) offsets(%dma_start3A_412 : memref<128xi32, #tpu.memory_space<vmem>>) semaphore(%arg8 : memref<!tpu.dma_semaphore, #tpu.memory_space<semaphore_mem>>)
      %dma_start3A_416 = arith.constant 640 : i32
      %dma_start3A_417 = arith.constant 0 : i32
      %dma_start3A_418 = tpu.memref_slice %arg6[%dma_start3A_416, %dma_start3A_417] : memref<1024x64xf32, #tpu.memory_space<vmem>> -> memref<128x64xf32, #tpu.memory_space<vmem>>
      %dma_start3A_419 = arith.constant 0 : i32
      %dma_start3A_420 = tpu.memref_slice %arg5[%add3A_398, %dma_start3A_419] : memref<200x128xi32, #tpu.memory_space<vmem>> -> memref<1x128xi32, #tpu.memory_space<vmem>>
      %dma_start3A_421 = tpu.memref_squeeze %dma_start3A_420 : memref<1x128xi32, #tpu.memory_space<vmem>> -> memref<128xi32, #tpu.memory_space<vmem>>
      %dma_start3A_422 = arith.constant 0 : i32
      %dma_start3A_423 = arith.constant 0 : i32
      %dma_start3A_424 = tpu.memref_slice %arg3[%dma_start3A_422, %dma_start3A_423] : memref<1000000x64xf32, #tpu.memory_space<hbm>> -> memref<1000000x64xf32, #tpu.memory_space<hbm>>
      tpu.enqueue_indirect_dma source(%dma_start3A_424 : memref<1000000x64xf32, #tpu.memory_space<hbm>>) target(%dma_start3A_418 : memref<128x64xf32, #tpu.memory_space<vmem>>) offsets(%dma_start3A_421 : memref<128xi32, #tpu.memory_space<vmem>>) semaphore(%arg8 : memref<!tpu.dma_semaphore, #tpu.memory_space<semaphore_mem>>)
      %dma_start3A_425 = arith.constant 768 : i32
      %dma_start3A_426 = arith.constant 0 : i32
      %dma_start3A_427 = tpu.memref_slice %arg6[%dma_start3A_425, %dma_start3A_426] : memref<1024x64xf32, #tpu.memory_space<vmem>> -> memref<128x64xf32, #tpu.memory_space<vmem>>
      %dma_start3A_428 = arith.constant 0 : i32
      %dma_start3A_429 = tpu.memref_slice %arg5[%add3A_402, %dma_start3A_428] : memref<200x128xi32, #tpu.memory_space<vmem>> -> memref<1x128xi32, #tpu.memory_space<vmem>>
      %dma_start3A_430 = tpu.memref_squeeze %dma_start3A_429 : memref<1x128xi32, #tpu.memory_space<vmem>> -> memref<128xi32, #tpu.memory_space<vmem>>
      %dma_start3A_431 = arith.constant 0 : i32
      %dma_start3A_432 = arith.constant 0 : i32
      %dma_start3A_433 = tpu.memref_slice %arg3[%dma_start3A_431, %dma_start3A_432] : memref<1000000x64xf32, #tpu.memory_space<hbm>> -> memref<1000000x64xf32, #tpu.memory_space<hbm>>
      tpu.enqueue_indirect_dma source(%dma_start3A_433 : memref<1000000x64xf32, #tpu.memory_space<hbm>>) target(%dma_start3A_427 : memref<128x64xf32, #tpu.memory_space<vmem>>) offsets(%dma_start3A_430 : memref<128xi32, #tpu.memory_space<vmem>>) semaphore(%arg8 : memref<!tpu.dma_semaphore, #tpu.memory_space<semaphore_mem>>)
      %dma_start3A_434 = arith.constant 896 : i32
      %dma_start3A_435 = arith.constant 0 : i32
      %dma_start3A_436 = tpu.memref_slice %arg6[%dma_start3A_434, %dma_start3A_435] : memref<1024x64xf32, #tpu.memory_space<vmem>> -> memref<128x64xf32, #tpu.memory_space<vmem>>
      %dma_start3A_437 = arith.constant 0 : i32
      %dma_start3A_438 = tpu.memref_slice %arg5[%add3A_406, %dma_start3A_437] : memref<200x128xi32, #tpu.memory_space<vmem>> -> memref<1x128xi32, #tpu.memory_space<vmem>>
      %dma_start3A_439 = tpu.memref_squeeze %dma_start3A_438 : memref<1x128xi32, #tpu.memory_space<vmem>> -> memref<128xi32, #tpu.memory_space<vmem>>
      %dma_start3A_440 = arith.constant 0 : i32
      %dma_start3A_441 = arith.constant 0 : i32
      %dma_start3A_442 = tpu.memref_slice %arg3[%dma_start3A_440, %dma_start3A_441] : memref<1000000x64xf32, #tpu.memory_space<hbm>> -> memref<1000000x64xf32, #tpu.memory_space<hbm>>
      tpu.enqueue_indirect_dma source(%dma_start3A_442 : memref<1000000x64xf32, #tpu.memory_space<hbm>>) target(%dma_start3A_436 : memref<128x64xf32, #tpu.memory_space<vmem>>) offsets(%dma_start3A_439 : memref<128xi32, #tpu.memory_space<vmem>>) semaphore(%arg8 : memref<!tpu.dma_semaphore, #tpu.memory_space<semaphore_mem>>)
      %mul3A_443 = arith.constant 4 : i32
      %mul3A_444 = arith.muli %add3A_371, %mul3A_443 : i32
      %add3A_445 = arith.constant 0 : i32
      %add3A_446 = arith.addi %mul3A_444, %add3A_445 : i32
      %mul3A_447 = arith.constant 4 : i32
      %mul3A_448 = arith.muli %add3A_371, %mul3A_447 : i32
      %add3A_449 = arith.constant 1 : i32
      %add3A_450 = arith.addi %mul3A_448, %add3A_449 : i32
      %mul3A_451 = arith.constant 4 : i32
      %mul3A_452 = arith.muli %add3A_371, %mul3A_451 : i32
      %add3A_453 = arith.constant 2 : i32
      %add3A_454 = arith.addi %mul3A_452, %add3A_453 : i32
      %mul3A_455 = arith.constant 4 : i32
      %mul3A_456 = arith.muli %add3A_371, %mul3A_455 : i32
      %add3A_457 = arith.constant 3 : i32
      %add3A_458 = arith.addi %mul3A_456, %add3A_457 : i32
      %dma_wait3A_459 = arith.constant 0 : i32
      %dma_wait3A_460 = arith.constant 0 : i32
      %dma_wait3A_461 = tpu.memref_slice %arg6[%dma_wait3A_459, %dma_wait3A_460] : memref<1024x64xf32, #tpu.memory_space<vmem>> -> memref<128x64xf32, #tpu.memory_space<vmem>>
      %dma_wait3A_462 = arith.constant 0 : i32
      %dma_wait3A_463 = tpu.memref_slice %arg5[%add3A_446, %dma_wait3A_462] : memref<200x128xi32, #tpu.memory_space<vmem>> -> memref<1x128xi32, #tpu.memory_space<vmem>>
      %dma_wait3A_464 = tpu.memref_squeeze %dma_wait3A_463 : memref<1x128xi32, #tpu.memory_space<vmem>> -> memref<128xi32, #tpu.memory_space<vmem>>
      %dma_wait3A_465 = arith.constant 0 : i32
      %dma_wait3A_466 = arith.constant 0 : i32
      %dma_wait3A_467 = tpu.memref_slice %arg3[%dma_wait3A_465, %dma_wait3A_466] : memref<1000000x64xf32, #tpu.memory_space<hbm>> -> memref<1000000x64xf32, #tpu.memory_space<hbm>>
      tpu.wait_indirect_dma semaphore(%arg7 : memref<!tpu.dma_semaphore, #tpu.memory_space<semaphore_mem>>) src(%dma_wait3A_467 : memref<1000000x64xf32, #tpu.memory_space<hbm>>) dst(%dma_wait3A_461 : memref<128x64xf32, #tpu.memory_space<vmem>>)
      %dma_wait3A_468 = arith.constant 128 : i32
      %dma_wait3A_469 = arith.constant 0 : i32
      %dma_wait3A_470 = tpu.memref_slice %arg6[%dma_wait3A_468, %dma_wait3A_469] : memref<1024x64xf32, #tpu.memory_space<vmem>> -> memref<128x64xf32, #tpu.memory_space<vmem>>
      %dma_wait3A_471 = arith.constant 0 : i32
      %dma_wait3A_472 = tpu.memref_slice %arg5[%add3A_450, %dma_wait3A_471] : memref<200x128xi32, #tpu.memory_space<vmem>> -> memref<1x128xi32, #tpu.memory_space<vmem>>
      %dma_wait3A_473 = tpu.memref_squeeze %dma_wait3A_472 : memref<1x128xi32, #tpu.memory_space<vmem>> -> memref<128xi32, #tpu.memory_space<vmem>>
      %dma_wait3A_474 = arith.constant 0 : i32
      %dma_wait3A_475 = arith.constant 0 : i32
      %dma_wait3A_476 = tpu.memref_slice %arg3[%dma_wait3A_474, %dma_wait3A_475] : memref<1000000x64xf32, #tpu.memory_space<hbm>> -> memref<1000000x64xf32, #tpu.memory_space<hbm>>
      tpu.wait_indirect_dma semaphore(%arg7 : memref<!tpu.dma_semaphore, #tpu.memory_space<semaphore_mem>>) src(%dma_wait3A_476 : memref<1000000x64xf32, #tpu.memory_space<hbm>>) dst(%dma_wait3A_470 : memref<128x64xf32, #tpu.memory_space<vmem>>)
      %dma_wait3A_477 = arith.constant 256 : i32
      %dma_wait3A_478 = arith.constant 0 : i32
      %dma_wait3A_479 = tpu.memref_slice %arg6[%dma_wait3A_477, %dma_wait3A_478] : memref<1024x64xf32, #tpu.memory_space<vmem>> -> memref<128x64xf32, #tpu.memory_space<vmem>>
      %dma_wait3A_480 = arith.constant 0 : i32
      %dma_wait3A_481 = tpu.memref_slice %arg5[%add3A_454, %dma_wait3A_480] : memref<200x128xi32, #tpu.memory_space<vmem>> -> memref<1x128xi32, #tpu.memory_space<vmem>>
      %dma_wait3A_482 = tpu.memref_squeeze %dma_wait3A_481 : memref<1x128xi32, #tpu.memory_space<vmem>> -> memref<128xi32, #tpu.memory_space<vmem>>
      %dma_wait3A_483 = arith.constant 0 : i32
      %dma_wait3A_484 = arith.constant 0 : i32
      %dma_wait3A_485 = tpu.memref_slice %arg3[%dma_wait3A_483, %dma_wait3A_484] : memref<1000000x64xf32, #tpu.memory_space<hbm>> -> memref<1000000x64xf32, #tpu.memory_space<hbm>>
      tpu.wait_indirect_dma semaphore(%arg7 : memref<!tpu.dma_semaphore, #tpu.memory_space<semaphore_mem>>) src(%dma_wait3A_485 : memref<1000000x64xf32, #tpu.memory_space<hbm>>) dst(%dma_wait3A_479 : memref<128x64xf32, #tpu.memory_space<vmem>>)
      %dma_wait3A_486 = arith.constant 384 : i32
      %dma_wait3A_487 = arith.constant 0 : i32
      %dma_wait3A_488 = tpu.memref_slice %arg6[%dma_wait3A_486, %dma_wait3A_487] : memref<1024x64xf32, #tpu.memory_space<vmem>> -> memref<128x64xf32, #tpu.memory_space<vmem>>
      %dma_wait3A_489 = arith.constant 0 : i32
      %dma_wait3A_490 = tpu.memref_slice %arg5[%add3A_458, %dma_wait3A_489] : memref<200x128xi32, #tpu.memory_space<vmem>> -> memref<1x128xi32, #tpu.memory_space<vmem>>
      %dma_wait3A_491 = tpu.memref_squeeze %dma_wait3A_490 : memref<1x128xi32, #tpu.memory_space<vmem>> -> memref<128xi32, #tpu.memory_space<vmem>>
      %dma_wait3A_492 = arith.constant 0 : i32
      %dma_wait3A_493 = arith.constant 0 : i32
      %dma_wait3A_494 = tpu.memref_slice %arg3[%dma_wait3A_492, %dma_wait3A_493] : memref<1000000x64xf32, #tpu.memory_space<hbm>> -> memref<1000000x64xf32, #tpu.memory_space<hbm>>
      tpu.wait_indirect_dma semaphore(%arg7 : memref<!tpu.dma_semaphore, #tpu.memory_space<semaphore_mem>>) src(%dma_wait3A_494 : memref<1000000x64xf32, #tpu.memory_space<hbm>>) dst(%dma_wait3A_488 : memref<128x64xf32, #tpu.memory_space<vmem>>)
      %mul3A_495 = arith.constant 25600 : i32
      %mul3A_496 = arith.muli %add3A, %mul3A_495 : i32
      %mul3A_497 = arith.constant 512 : i32
      %mul3A_498 = arith.muli %add3A_371, %mul3A_497 : i32
      %add3A_499 = arith.addi %mul3A_496, %mul3A_498 : i32
      %dma_start3A_500 = arith.constant 0 : i32
      %dma_start3A_501 = arith.constant 0 : i32
      %dma_start3A_502 = tpu.memref_slice %arg6[%dma_start3A_500, %dma_start3A_501] : memref<1024x64xf32, #tpu.memory_space<vmem>> -> memref<512x64xf32, #tpu.memory_space<vmem>>
      %dma_start3A_503 = arith.constant 0 : i32
      %dma_start3A_504 = tpu.memref_slice %arg4[%add3A_499, %dma_start3A_503] : memref<819200x64xf32, #tpu.memory_space<hbm>> -> memref<512x64xf32, #tpu.memory_space<hbm>>
      %dma_start3A_505 = arith.constant 0 : i32
      %dma_start3A_506 = tpu.memref_slice %arg4[%add3A_499, %dma_start3A_505] : memref<819200x64xf32, #tpu.memory_space<hbm>> -> memref<512x64xf32, #tpu.memory_space<hbm>>
      %dma_start3A_507 = arith.constant 0 : i32
      %dma_start3A_508 = arith.constant 0 : i32
      %dma_start3A_509 = tpu.memref_slice %arg6[%dma_start3A_507, %dma_start3A_508] : memref<1024x64xf32, #tpu.memory_space<vmem>> -> memref<512x64xf32, #tpu.memory_space<vmem>>
      tpu.enqueue_dma source(%dma_start3A_509 : memref<512x64xf32, #tpu.memory_space<vmem>>) target(%dma_start3A_506 : memref<512x64xf32, #tpu.memory_space<hbm>>) target_semaphore(%arg9 : memref<!tpu.dma_semaphore, #tpu.memory_space<semaphore_mem>>)
    }
    %scan3A_139 = arith.constant 24 : i32
    %mul3A_140 = arith.constant 25600 : i32
    %mul3A_141 = arith.muli %add3A, %mul3A_140 : i32
    %add3A_142 = arith.constant 24576 : i32
    %add3A_143 = arith.addi %mul3A_141, %add3A_142 : i32
    %dma_wait3A_144 = arith.constant 0 : i32
    %dma_wait3A_145 = arith.constant 0 : i32
    %dma_wait3A_146 = tpu.memref_slice %arg6[%dma_wait3A_144, %dma_wait3A_145] : memref<1024x64xf32, #tpu.memory_space<vmem>> -> memref<512x64xf32, #tpu.memory_space<vmem>>
    %dma_wait3A_147 = arith.constant 0 : i32
    %dma_wait3A_148 = tpu.memref_slice %arg4[%add3A_143, %dma_wait3A_147] : memref<819200x64xf32, #tpu.memory_space<hbm>> -> memref<512x64xf32, #tpu.memory_space<hbm>>
    %dma_wait3A_149 = arith.constant 0 : i32
    %dma_wait3A_150 = tpu.memref_slice %arg4[%add3A_143, %dma_wait3A_149] : memref<819200x64xf32, #tpu.memory_space<hbm>> -> memref<512x64xf32, #tpu.memory_space<hbm>>
    %dma_wait3A_151 = arith.constant 0 : i32
    %dma_wait3A_152 = arith.constant 0 : i32
    %dma_wait3A_153 = tpu.memref_slice %arg6[%dma_wait3A_151, %dma_wait3A_152] : memref<1024x64xf32, #tpu.memory_space<vmem>> -> memref<512x64xf32, #tpu.memory_space<vmem>>
    tpu.wait_dma2 semaphore(%arg9 : memref<!tpu.dma_semaphore, #tpu.memory_space<semaphore_mem>>) src(%dma_wait3A_153 : memref<512x64xf32, #tpu.memory_space<vmem>>) dst(%dma_wait3A_150 : memref<512x64xf32, #tpu.memory_space<hbm>>)
    %dma_wait3A_154 = arith.constant 196 : i32
    %dma_wait3A_155 = arith.constant 512 : i32
    %dma_wait3A_156 = arith.constant 0 : i32
    %dma_wait3A_157 = tpu.memref_slice %arg6[%dma_wait3A_155, %dma_wait3A_156] : memref<1024x64xf32, #tpu.memory_space<vmem>> -> memref<128x64xf32, #tpu.memory_space<vmem>>
    %dma_wait3A_158 = arith.constant 0 : i32
    %dma_wait3A_159 = tpu.memref_slice %arg5[%dma_wait3A_154, %dma_wait3A_158] : memref<200x128xi32, #tpu.memory_space<vmem>> -> memref<1x128xi32, #tpu.memory_space<vmem>>
    %dma_wait3A_160 = tpu.memref_squeeze %dma_wait3A_159 : memref<1x128xi32, #tpu.memory_space<vmem>> -> memref<128xi32, #tpu.memory_space<vmem>>
    %dma_wait3A_161 = arith.constant 0 : i32
    %dma_wait3A_162 = arith.constant 0 : i32
    %dma_wait3A_163 = tpu.memref_slice %arg3[%dma_wait3A_161, %dma_wait3A_162] : memref<1000000x64xf32, #tpu.memory_space<hbm>> -> memref<1000000x64xf32, #tpu.memory_space<hbm>>
    tpu.wait_indirect_dma semaphore(%arg8 : memref<!tpu.dma_semaphore, #tpu.memory_space<semaphore_mem>>) src(%dma_wait3A_163 : memref<1000000x64xf32, #tpu.memory_space<hbm>>) dst(%dma_wait3A_157 : memref<128x64xf32, #tpu.memory_space<vmem>>)
    %dma_wait3A_164 = arith.constant 197 : i32
    %dma_wait3A_165 = arith.constant 640 : i32
    %dma_wait3A_166 = arith.constant 0 : i32
    %dma_wait3A_167 = tpu.memref_slice %arg6[%dma_wait3A_165, %dma_wait3A_166] : memref<1024x64xf32, #tpu.memory_space<vmem>> -> memref<128x64xf32, #tpu.memory_space<vmem>>
    %dma_wait3A_168 = arith.constant 0 : i32
    %dma_wait3A_169 = tpu.memref_slice %arg5[%dma_wait3A_164, %dma_wait3A_168] : memref<200x128xi32, #tpu.memory_space<vmem>> -> memref<1x128xi32, #tpu.memory_space<vmem>>
    %dma_wait3A_170 = tpu.memref_squeeze %dma_wait3A_169 : memref<1x128xi32, #tpu.memory_space<vmem>> -> memref<128xi32, #tpu.memory_space<vmem>>
    %dma_wait3A_171 = arith.constant 0 : i32
    %dma_wait3A_172 = arith.constant 0 : i32
    %dma_wait3A_173 = tpu.memref_slice %arg3[%dma_wait3A_171, %dma_wait3A_172] : memref<1000000x64xf32, #tpu.memory_space<hbm>> -> memref<1000000x64xf32, #tpu.memory_space<hbm>>
    tpu.wait_indirect_dma semaphore(%arg8 : memref<!tpu.dma_semaphore, #tpu.memory_space<semaphore_mem>>) src(%dma_wait3A_173 : memref<1000000x64xf32, #tpu.memory_space<hbm>>) dst(%dma_wait3A_167 : memref<128x64xf32, #tpu.memory_space<vmem>>)
    %dma_wait3A_174 = arith.constant 198 : i32
    %dma_wait3A_175 = arith.constant 768 : i32
    %dma_wait3A_176 = arith.constant 0 : i32
    %dma_wait3A_177 = tpu.memref_slice %arg6[%dma_wait3A_175, %dma_wait3A_176] : memref<1024x64xf32, #tpu.memory_space<vmem>> -> memref<128x64xf32, #tpu.memory_space<vmem>>
    %dma_wait3A_178 = arith.constant 0 : i32
    %dma_wait3A_179 = tpu.memref_slice %arg5[%dma_wait3A_174, %dma_wait3A_178] : memref<200x128xi32, #tpu.memory_space<vmem>> -> memref<1x128xi32, #tpu.memory_space<vmem>>
    %dma_wait3A_180 = tpu.memref_squeeze %dma_wait3A_179 : memref<1x128xi32, #tpu.memory_space<vmem>> -> memref<128xi32, #tpu.memory_space<vmem>>
    %dma_wait3A_181 = arith.constant 0 : i32
    %dma_wait3A_182 = arith.constant 0 : i32
    %dma_wait3A_183 = tpu.memref_slice %arg3[%dma_wait3A_181, %dma_wait3A_182] : memref<1000000x64xf32, #tpu.memory_space<hbm>> -> memref<1000000x64xf32, #tpu.memory_space<hbm>>
    tpu.wait_indirect_dma semaphore(%arg8 : memref<!tpu.dma_semaphore, #tpu.memory_space<semaphore_mem>>) src(%dma_wait3A_183 : memref<1000000x64xf32, #tpu.memory_space<hbm>>) dst(%dma_wait3A_177 : memref<128x64xf32, #tpu.memory_space<vmem>>)
    %dma_wait3A_184 = arith.constant 199 : i32
    %dma_wait3A_185 = arith.constant 896 : i32
    %dma_wait3A_186 = arith.constant 0 : i32
    %dma_wait3A_187 = tpu.memref_slice %arg6[%dma_wait3A_185, %dma_wait3A_186] : memref<1024x64xf32, #tpu.memory_space<vmem>> -> memref<128x64xf32, #tpu.memory_space<vmem>>
    %dma_wait3A_188 = arith.constant 0 : i32
    %dma_wait3A_189 = tpu.memref_slice %arg5[%dma_wait3A_184, %dma_wait3A_188] : memref<200x128xi32, #tpu.memory_space<vmem>> -> memref<1x128xi32, #tpu.memory_space<vmem>>
    %dma_wait3A_190 = tpu.memref_squeeze %dma_wait3A_189 : memref<1x128xi32, #tpu.memory_space<vmem>> -> memref<128xi32, #tpu.memory_space<vmem>>
    %dma_wait3A_191 = arith.constant 0 : i32
    %dma_wait3A_192 = arith.constant 0 : i32
    %dma_wait3A_193 = tpu.memref_slice %arg3[%dma_wait3A_191, %dma_wait3A_192] : memref<1000000x64xf32, #tpu.memory_space<hbm>> -> memref<1000000x64xf32, #tpu.memory_space<hbm>>
    tpu.wait_indirect_dma semaphore(%arg8 : memref<!tpu.dma_semaphore, #tpu.memory_space<semaphore_mem>>) src(%dma_wait3A_193 : memref<1000000x64xf32, #tpu.memory_space<hbm>>) dst(%dma_wait3A_187 : memref<128x64xf32, #tpu.memory_space<vmem>>)
    %mul3A_194 = arith.constant 25600 : i32
    %mul3A_195 = arith.muli %add3A, %mul3A_194 : i32
    %add3A_196 = arith.constant 25088 : i32
    %add3A_197 = arith.addi %mul3A_195, %add3A_196 : i32
    %dma_start3A_198 = arith.constant 512 : i32
    %dma_start3A_199 = arith.constant 0 : i32
    %dma_start3A_200 = tpu.memref_slice %arg6[%dma_start3A_198, %dma_start3A_199] : memref<1024x64xf32, #tpu.memory_space<vmem>> -> memref<512x64xf32, #tpu.memory_space<vmem>>
    %dma_start3A_201 = arith.constant 0 : i32
    %dma_start3A_202 = tpu.memref_slice %arg4[%add3A_197, %dma_start3A_201] : memref<819200x64xf32, #tpu.memory_space<hbm>> -> memref<512x64xf32, #tpu.memory_space<hbm>>
    %dma_start3A_203 = arith.constant 0 : i32
    %dma_start3A_204 = tpu.memref_slice %arg4[%add3A_197, %dma_start3A_203] : memref<819200x64xf32, #tpu.memory_space<hbm>> -> memref<512x64xf32, #tpu.memory_space<hbm>>
    %dma_start3A_205 = arith.constant 512 : i32
    %dma_start3A_206 = arith.constant 0 : i32
    %dma_start3A_207 = tpu.memref_slice %arg6[%dma_start3A_205, %dma_start3A_206] : memref<1024x64xf32, #tpu.memory_space<vmem>> -> memref<512x64xf32, #tpu.memory_space<vmem>>
    tpu.enqueue_dma source(%dma_start3A_207 : memref<512x64xf32, #tpu.memory_space<vmem>>) target(%dma_start3A_204 : memref<512x64xf32, #tpu.memory_space<hbm>>) target_semaphore(%arg10 : memref<!tpu.dma_semaphore, #tpu.memory_space<semaphore_mem>>)
    %mul3A_208 = arith.constant 25600 : i32
    %mul3A_209 = arith.muli %add3A, %mul3A_208 : i32
    %add3A_210 = arith.constant 25088 : i32
    %add3A_211 = arith.addi %mul3A_209, %add3A_210 : i32
    %dma_wait3A_212 = arith.constant 512 : i32
    %dma_wait3A_213 = arith.constant 0 : i32
    %dma_wait3A_214 = tpu.memref_slice %arg6[%dma_wait3A_212, %dma_wait3A_213] : memref<1024x64xf32, #tpu.memory_space<vmem>> -> memref<512x64xf32, #tpu.memory_space<vmem>>
    %dma_wait3A_215 = arith.constant 0 : i32
    %dma_wait3A_216 = tpu.memref_slice %arg4[%add3A_211, %dma_wait3A_215] : memref<819200x64xf32, #tpu.memory_space<hbm>> -> memref<512x64xf32, #tpu.memory_space<hbm>>
    %dma_wait3A_217 = arith.constant 0 : i32
    %dma_wait3A_218 = tpu.memref_slice %arg4[%add3A_211, %dma_wait3A_217] : memref<819200x64xf32, #tpu.memory_space<hbm>> -> memref<512x64xf32, #tpu.memory_space<hbm>>
    %dma_wait3A_219 = arith.constant 512 : i32
    %dma_wait3A_220 = arith.constant 0 : i32
    %dma_wait3A_221 = tpu.memref_slice %arg6[%dma_wait3A_219, %dma_wait3A_220] : memref<1024x64xf32, #tpu.memory_space<vmem>> -> memref<512x64xf32, #tpu.memory_space<vmem>>
    tpu.wait_dma2 semaphore(%arg10 : memref<!tpu.dma_semaphore, #tpu.memory_space<semaphore_mem>>) src(%dma_wait3A_221 : memref<512x64xf32, #tpu.memory_space<vmem>>) dst(%dma_wait3A_218 : memref<512x64xf32, #tpu.memory_space<hbm>>)
    return
  }
}

</mosaic_0001>

<sc_bundles>
// kernel: kernel.3.cloned.1.call-start
scs
__scs_entry_jumppad:
0x0: {  	(pc) =	sbr.rel $0x88, $3  }
0x1: {  	(tag) =	ssettag $0x0;
	lr =	simm.s32 $0x1  }
0x2: {  	[smem:$0x3F9F] =	sst lr;
	_ =	strace $0xD0000000  }
0x3: {  	_ = 	snop  }
0x4: {  	_ = 	snop  }
0x5: {  	_ = 	snop  }
0x6: {  	_ = 	snop  }
0x7: {  	_ = 	snop  }
__scs_overlays_trampoline_lowered:
0x8: {  	[smem:$0x3FAE] =	sst s0  }
0x9: {  	[smem:$0x3FAF] =	sst s1  }
0xa: {  	[smem:$0x3FB0] =	sst s2  }
0xb: {  	[smem:$0x3FB1] =	sst s3  }
0xc: {  	[smem:$0x3FB2] =	sst s4  }
0xd: {  	[smem:$0x3FB3] =	sst s5  }
0xe: {  	[smem:$0x3FB4] =	sst s6  }
0xf: {  	[smem:$0x3FB5] =	sst s7  }
0x10: {  	[smem:$0x3FB6] =	sst s8  }
0x11: {  	[smem:$0x3FB7] =	sst s9;
	s0 =	simm.s32 @!p0 $0x0  }
0x12: {  	s1 =	sld [smem:$0x3F9D];
	s0 =	simm.s32 @p0 $0x1  }
0x13: {  	[smem:$0x3FB8] =	sst s0;
	s0 =	simm.s32 @!p1 $0x0  }
0x14: {  	s2 =	sld [smem:$0x3F9C];
	s0 =	simm.s32 @p1 $0x1  }
0x15: {  	[smem:$0x3FB9] =	sst s0;
	s0 =	simm.s32 @!p2 $0x0  }
0x16: {  	s3 =	sld [smem:$0x3FDB];
	s0 =	simm.s32 @p2 $0x1  }
0x17: {  	s4 =	simm.s32 $0x1BF5;
	[smem:$0x3FBB] =	sst s0  }
0x18: {  	s0 =	sld [smem:$0x3F9E];
	_ =	swait.ge [sflag:s4], $0x0  }
0x19: {  	s7 =	sld [smem:$0x3F9F]  }
0x1a: {  	s8 =	sadd.s32 $0xFFFFE003, lr  }
0x1b: {  	s9 =	sadd.s32 $0xFFFFFEF7, lr;
	s5 =	simm.s32 $0xFFFFFFFF;
	p2 =	slt.u32 s8, $0xFFFFF086  }
0x1c: {  	p1 =	slt.u32 s9, $0xF7A;
	s5 =	simm.s32 @!p2 $0x0  }
0x1d: {  	s5 =	simm.s32 @p1 $0x1;
	p0 =	seq.s32 s7, s2  }
0x1e: {  	s7 =	smul.u32 @!p0 $0xF7A, s2;
	p2 =	seq.s32 @!p0 s5, $0x0  }
0x1f: {  	s9 =	smul.u32 $0xF7A, s1;
	s8 =	simm.s32 @!p0 $0x1BF5;
	p2 =	por !p2, p0  }
0x20: {  	[sflag:s8] =	ssyncset.s32 @!p0 $0xFFFFF086;
	s6 =	sadd.s32 @!p0 s3, s7;
	s7 =	simm.s32 @!p0 $0x108  }
0x21: {  	s3 =	sadd.s32 s3, s9;
	s6 =	sadd.s32 @!p0 $0x88, s6;
	s7 =	simm.s32 @p2 $0x1082  }
0x22: {  	[simem:s7], [sflag:s8] =	dma.local @!p0 [hbm:s6], $0xF7A  }
0x23: {  	s9 =	sor.u32 $0xD0000000, s2;
	s6 =	simm.s32 $0x108;
	_ =	swait.ge @!p0 [sflag:s8], $0x0  }
0x24: {  	s3 =	sadd.s32 $0x88, s3;
	s6 =	simm.s32 @!p1 $0x1082;
	[sflag:s4] =	ssyncset.s32 $0xFFFFF086  }
0x25: {  	[simem:s6], [sflag:s4] =	dma.local [hbm:s3], $0xF7A  }
0x26: {  	[smem:$0x3F9F] =	sst s1;
	(tag) =	ssettag s2;
	_ =	strace s9  }
0x27: {  	s1 =	sld [smem:$0x3FAF]  }
0x28: {  	s2 =	sld [smem:$0x3FB0]  }
0x29: {  	s4 =	sld [smem:$0x3FB2]  }
0x2a: {  	p0 =	seq.s32 s5, $0x0;
	s5 =	sld [smem:$0x3FB3]  }
0x2b: {  	s6 =	sld [smem:$0x3FB4]  }
0x2c: {  	s7 =	sld [smem:$0x3FB5]  }
0x2d: {  	s3 =	simm.s32 $0x108;
	s8 =	sld [smem:$0x3FB6]  }
0x2e: {  	s3 =	simm.s32 @!p0 $0x1082;
	s9 =	sld [smem:$0x3FB7]  }
0x2f: {  	lr =	sadd.s32 s0, s3;
	s0 =	sld [smem:$0x3FAE]  }
0x30: {  	s3 =	sld [smem:$0x3FB1]  }
0x31: {  	[smem:$0x3FBA] =	sst s10  }
0x32: {  	s10 =	sld [smem:$0x3FB8];
	_ =	sdelay $0x3  }
0x33: {  	p0 =	seq.s32 s10, $0x1;
	s10 =	sld [smem:$0x3FBA];
	_ =	sdelay $0x3  }
0x34: {  	[smem:$0x3FBA] =	sst s10  }
0x35: {  	s10 =	sld [smem:$0x3FB9];
	_ =	sdelay $0x3  }
0x36: {  	p1 =	seq.s32 s10, $0x1;
	s10 =	sld [smem:$0x3FBA];
	_ =	sdelay $0x3  }
0x37: {  	[smem:$0x3FBA] =	sst s10  }
0x38: {  	s10 =	sld [smem:$0x3FBB]  }
0x39: {  	_ = 	snop;
	(pc) =	sbr.ind lr, $3  }
0x3a: {  	_ = 	snop  }
0x3b: {  	_ = 	snop  }
0x3c: {  	p2 =	seq.s32 s10, $0x1;
	s10 =	sld [smem:$0x3FBA]  }
0x3d: {  	_ =	shalt  }
0x3e: {  	_ =	shalt  }
0x3f: {  	_ =	shalt  }
0x40: {  	_ =	shalt  }
0x41: {  	_ =	shalt  }
0x42: {  	_ =	shalt  }
0x43: {  	_ =	shalt  }
0x44: {  	_ =	shalt  }
0x45: {  	_ =	shalt  }
0x46: {  	_ =	shalt  }
0x47: {  	_ =	shalt  }
0x48: {  	_ =	shalt  }
0x49: {  	_ =	shalt  }
0x4a: {  	_ =	shalt  }
0x4b: {  	_ =	shalt  }
0x4c: {  	_ =	shalt  }
0x4d: {  	_ =	shalt  }
0x4e: {  	_ =	shalt  }
0x4f: {  	_ =	shalt  }
0x50: {  	_ =	shalt  }
0x51: {  	_ =	shalt  }
0x52: {  	_ =	shalt  }
0x53: {  	_ =	shalt  }
0x54: {  	_ =	shalt  }
0x55: {  	_ =	shalt  }
0x56: {  	_ =	shalt  }
0x57: {  	_ =	shalt  }
0x58: {  	_ =	shalt  }
0x59: {  	_ =	shalt  }
0x5a: {  	_ =	shalt  }
0x5b: {  	_ =	shalt  }
0x5c: {  	_ =	shalt  }
0x5d: {  	_ =	shalt  }
0x5e: {  	_ =	shalt  }
0x5f: {  	_ =	shalt  }
0x60: {  	_ =	shalt  }
0x61: {  	_ =	shalt  }
0x62: {  	_ =	shalt  }
0x63: {  	_ =	shalt  }
0x64: {  	_ =	shalt  }
0x65: {  	_ =	shalt  }
0x66: {  	_ =	shalt  }
0x67: {  	_ =	shalt  }
0x68: {  	_ =	shalt  }
0x69: {  	_ =	shalt  }
0x6a: {  	_ =	shalt  }
0x6b: {  	_ =	shalt  }
0x6c: {  	_ =	shalt  }
0x6d: {  	_ =	shalt  }
0x6e: {  	_ =	shalt  }
0x6f: {  	_ =	shalt  }
0x70: {  	_ =	shalt  }
0x71: {  	_ =	shalt  }
0x72: {  	_ =	shalt  }
0x73: {  	_ =	shalt  }
0x74: {  	_ =	shalt  }
0x75: {  	_ =	shalt  }
0x76: {  	_ =	shalt  }
0x77: {  	_ =	shalt  }
0x78: {  	_ =	shalt  }
0x79: {  	_ =	shalt  }
0x7a: {  	_ =	shalt  }
0x7b: {  	_ =	shalt  }
0x7c: {  	_ =	shalt  }
0x7d: {  	_ =	shalt  }
0x7e: {  	_ =	shalt  }
0x7f: {  	_ =	shalt  }
0x80: {  	_ =	shalt  }
0x81: {  	_ =	shalt  }
0x82: {  	_ =	shalt  }
0x83: {  	_ =	shalt  }
0x84: {  	_ =	shalt  }
0x85: {  	_ =	shalt  }
0x86: {  	_ =	shalt  }
0x87: {  	_ =	shalt  }
.Lfunc_end0:
.L_simem_size_0:
called_computation.1_lowered:
.L_overlay_start_0:
0x88: {  	s2 =	sld [smem:$0x3FD9]  }
0x89: {  	s3 =	sld [smem:$0x3FFE];
	_ =	sdelay $0x1  }
0x8a: {  	s1 =	srdreg.scid  }
0x8b: {  	s0 =	sand.u32 $0x1, s1  }
0x8c: {  	s17 =	sshll.u32 s0, $0xA;
	s2 =	sadd.s32 s3, s2  }
0x8d: {  	s2 =	sadd.s32 s2, s17  }
0x8e: {  	[smem:$0x3FC6] =	sst s2  }
0x8f: {  	_ = 	snop  }
0x90: {  	s2 =	sld [smem:$0x3FD0];
	(tm) =	ssettm $0x1  }
0x91: {  	s18 =	sld [smem:$0x3FFB];
	_ =	sdelay $0x3  }
0x92: {  	_ =	strace s18  }
0x93: {  	s3 =	sld [smem:$0x3FFC];
	_ =	sdelay $0x3  }
0x94: {  	_ =	strace s3  }
0x95: {  	s3 =	sld [smem:$0x3FFD];
	_ =	sdelay $0x3  }
0x96: {  	_ =	strace s3  }
0x97: {  	_ =	strace $0x8FFFFFFF  }
0x98: {  	s19 =	sld [smem:$0x3FDB];
	_ =	sdelay $0x1  }
0x99: {  	s4 =	simm.s32 $_scs_section_size  }
0x9a: {  	s5 =	simm.s32 $_size__tile_overlayer_lowered;
	s6 =	simm.s32 $_tile_overlayer_lowered  }
0x9b: {  	s22 =	simm.s32 $0x1BFF;
	s21 =	sshll.u32 s6, $0x1;
	s3 =	sadd.s32 s4, s19  }
0x9c: {  	s7 =	simm.s32 $0x0;
	s20 =	sshll.u32 s5, $0x1;
	s5 =	sadd.s32 s21, s3  }
0x9d: {  	[timem:s7], [sflag:s22] =	dma.local [hbm:s5], s20  }
0x9e: {  	_ =	swait.ge [sflag:s22], s20  }
0x9f: {  	s4 =	ssub.s32 $0x0, s20;
	[sflag:s22] =	ssyncset.done $0x0  }
0xa0: {  	[sflag:s22] =	ssyncadd.s32 s4;
	_ =	sdelay $0x1  }
0xa1: {  	s23 =	simm.s32 $0x1B8B  }
0xa2: {  	_ =	swait.ge [sflag:s23], $0x1  }
0xa3: {  	[sflag:s23] =	ssyncset.done $0x0  }
0xa4: {  	s25 =	simm.s32 $0x1B8E;
	s24 =	sld [smem:$0x3FFE];
	[sflag:s23] =	ssyncadd.s32 $0xFFFFFFFF  }
0xa5: {  	s26 =	simm.s32 $execute0_lowered;
	[smem:$0x3FD2] =	sst s25  }
0xa6: {  	s5 =	sshll.u32 s26, $0x1;
	_ =	strace $0x80000046;
	[dreg:$0x1] =	wrdreg $0xFFFFFFFF  }
0xa7: {  	s28 =	simm.s32 $_size_execute0_lowered;
	s3 =	sadd.s32 s3, s5;
	[dreg:$0x0] =	wrdreg $0x0  }
0xa8: {  	s5 =	sshll.u32 s28, $0x1;
	[dreg:$0x2] =	wrdreg s3  }
0xa9: {  	[dreg:$0x3] =	wrdreg s5  }
0xaa: {  	[dreg:$0x4] =	wrdreg $0xC0  }
0xab: {  	_ =	task [dreg:s7], $0x5FFFF  }
0xac: {  	[dreg:$0x1] =	wrdreg $0xFFFFFFFF  }
0xad: {  	[dreg:$0x0] =	wrdreg $0x60  }
0xae: {  	[dreg:$0x2] =	wrdreg s24  }
0xaf: {  	[dreg:$0x3] =	wrdreg s2  }
0xb0: {  	[dreg:$0x4] =	wrdreg $0x9  }
0xb1: {  	_ =	task.clear_ibuf [dreg:s7], $0x5FFFF;
	_ =	strace $0x90000046  }
0xb2: {  	s29 =	simm.s32 $0x9;
	_ =	strace $0x80000048  }
0xb3: {  	_ =	swait.ge [sflag:s29], $0x1  }
0xb4: {  	[sflag:s29] =	ssyncadd.s32 $0xFFFFFFFF  }
0xb5: {  	_ =	strace $0x90000048  }
0xb6: {  	_ =	sfence  }
0xb7: {  	s30 =	sld [smem:$0x0];
	_ =	sdelay $0x2  }
0xb8: {  	s31 =	sshll.u32 s1, $0xD;
	s1 =	sshrl.u32 s1, $0x2  }
0xb9: {  	s3 =	sand.u32 $0x4000, s31;
	s1 =	sadd.s32 s1, s30  }
0xba: {  	s0 =	sor.u32 s3, s0;
	s1 =	sshll.u32 s1, $0x11  }
0xbb: {  	s0 =	sor.u32 s1, s0  }
0xbc: {  	s0 =	sadd.s32 $0x8F2B, s0  }
0xbd: {  	[sflag:s0] =	ssyncadd.remote.s32 $0x1  }
0xbe: {  	_ =	sfence.sel $0xFFFF  }
0xbf: {  	[dreg:$0x0] =	wrdreg $0xFFFFFFFF;
	(pc) =	sbr.abs _section_cstart, $3  }
0xc0: {  	[dreg:$0x1] =	wrdreg $0xFFFFFFFF  }
0xc1: {  	_ =	task.clear_ibuf [dreg:s7], $0x2FFFF;
	_ =	strace $0x9FFFFFFF  }
0xc2: {  	(tm) =	ssettm $0x7FFFFFFF  }
0xc3: {  	_ =	shalt  }
tec
execute0_lowered:
.L_overlay_start_1:
0x0: {  	(tag) =	ssettag $0x1  }
0x1: {  	s0 =	srdreg.scid;
	s4 =	rddreg [dreg:$0x0]  }
0x2: {  	s11 =	stileid.u32;
	s2 =	rddreg [dreg:$0x1];
	s3 =	simm.s32 $0x0  }
0x3: {  	s12 =	simm.s32 $0x80;
	s13 =	simm.s32 $0x6400;
	s14 =	simm.s32 $0x8400  }
0x4: {  	s16 =	simm.s32 $0xA400;
	s18 =	simm.s32 $0xC400;
	s20 =	simm.s32 $0xE400  }
0x5: {  	s22 =	simm.s32 $0x10400;
	s23 =	simm.s32 $0x300;
	s24 =	simm.s32 $0x12400  }
0x6: {  	s25 =	simm.s32 $0x380;
	s28 =	simm.s32 $0x1;
	s8 =	smul.u32 $0x64000, s11  }
0x7: {  	s0 =	sand.u32 $0x1, s0;
	s1 =	sshll.u32 s11, $0x1;
	s11 =	smul.u32 $0x320000, s11  }
0x8: {  	s29 =	simm.s32 $0x3;
	s30 =	simm.s32 $0x2;
	s10 =	smul.u32 $0x32000, s0  }
0x9: {  	s1 =	sor.u32 s0, s1;
	s7 =	ssub.s32 $0x2, s0;
	s0 =	smul.u32 $0x190000, s0  }
0xa: {  	s31 =	simm.s32 $0x4;
	[smem:$0x7FF] =	sst s3;
	s5 =	smul.u32 $0xC80, s1  }
0xb: {  	_ =	strace $0x80000047;
	s6 =	smul.u32 $0x32000, s1;
	s9 =	sshrl.u32 s7, $0x1  }
0xc: {  	s1 =	smul.u32 $0x190000, s1;
	s8 =	sadd.s32 s8, s2;
	s9 =	ssub.s32 s7, s9  }
0xd: {  	s26 =	sadd.s32 s10, s8;
	s0 =	sadd.s32 s0, s11;
	s11 =	simm.s32 $0x5  }
0xe: {  	s5 =	sadd.s32 s5, s4;
	s4 =	sadd.s32 $0xF42E00, s4;
	s1 =	sshrl.u32 s1, $0x3  }
0xf: {  	s6 =	sadd.s32 s2, s6;
	s8 =	smax.u32 s9, $0x1;
	s9 =	sadd.s32 $0x1000, s26  }
0x10: {  	s10 =	sadd.s32 $0x10000, s0;
	s26 =	simm.s32 $0x14400;
	s1 =	sadd.s32 s2, s1  }
0x11: {  	s5 =	sadd.s32 $0xA00, s5;
	s7 =	sadd.s32 $0x31000, s1;
	s1 =	simm.s32 $0x0  }
.LBB2_1:
0x12: {  	[tilespmem:s3], [sflag:$0x5] =	stream.linear.gather [hbm4b:s5+s3], $0x6400, $0x38;
	[tilespmem:$0x16400] =	vst v63  }
0x13: {  	_ =	swait.ge [sflag:s11], $0x6400  }
0x14: {  	[sflag:s11] =	ssyncset.done $0x0  }
0x15: {  	[sflag:s11] =	ssyncadd.s32 $0xFFFF9C00  }
0x16: {  	[tilespmem:s13], [sflag:$0x1] =	stream.indirect.gather [hbm4b:s4+s12], $0x40, s3, s12, $0xb8;
	[tilespmem:$0x16400] =	vst v63  }
0x17: {  	_ = 	snop  }
0x18: {  	[tilespmem:s14], [sflag:$0x1] =	stream.indirect.gather [hbm4b:s4+s12], $0x40, s12, s12, $0xb8;
	[tilespmem:$0x16400] =	vst v63  }
0x19: {  	s0 =	simm.s32 $0x100  }
0x1a: {  	[tilespmem:s16], [sflag:$0x1] =	stream.indirect.gather [hbm4b:s4+s12], $0x40, s0, s12, $0xb8;
	[tilespmem:$0x16400] =	vst v63  }
0x1b: {  	s17 =	simm.s32 $0x180  }
0x1c: {  	[tilespmem:s18], [sflag:$0x1] =	stream.indirect.gather [hbm4b:s4+s12], $0x40, s17, s12, $0xb8;
	[tilespmem:$0x16400] =	vst v63  }
0x1d: {  	s19 =	simm.s32 $0x200  }
0x1e: {  	[tilespmem:s20], [sflag:$0x2] =	stream.indirect.gather [hbm4b:s4+s12], $0x40, s19, s12, $0xb8;
	[tilespmem:$0x16400] =	vst v63  }
0x1f: {  	s21 =	simm.s32 $0x280  }
0x20: {  	[tilespmem:s22], [sflag:$0x2] =	stream.indirect.gather [hbm4b:s4+s12], $0x40, s21, s12, $0xb8;
	[tilespmem:$0x16400] =	vst v63  }
0x21: {  	_ = 	snop  }
0x22: {  	[tilespmem:s24], [sflag:$0x2] =	stream.indirect.gather [hbm4b:s4+s12], $0x40, s23, s12, $0xb8;
	[tilespmem:$0x16400] =	vst v63  }
0x23: {  	_ = 	snop  }
0x24: {  	[tilespmem:s26], [sflag:$0x2] =	stream.indirect.gather [hbm4b:s4+s12], $0x40, s25, s12, $0xb8;
	[tilespmem:$0x16400] =	vst v63  }
0x25: {  	_ =	swait.ge [sflag:s28], $0x2000  }
0x26: {  	[sflag:s28] =	ssyncset.done $0x0  }
0x27: {  	[sflag:s28] =	ssyncadd.s32 $0xFFFFE000  }
0x28: {  	_ =	swait.ge [sflag:s28], $0x2000  }
0x29: {  	[sflag:s28] =	ssyncset.done $0x0  }
0x2a: {  	[sflag:s28] =	ssyncadd.s32 $0xFFFFE000  }
0x2b: {  	_ =	swait.ge [sflag:s28], $0x2000  }
0x2c: {  	[sflag:s28] =	ssyncset.done $0x0  }
0x2d: {  	[sflag:s28] =	ssyncadd.s32 $0xFFFFE000  }
0x2e: {  	_ =	swait.ge [sflag:s28], $0x2000  }
0x2f: {  	[sflag:s28] =	ssyncset.done $0x0  }
0x30: {  	[sflag:s28] =	ssyncadd.s32 $0xFFFFE000  }
0x31: {  	[hbm4b:s6+s3] =	stream.linear.scatter [tilespmem:s13], [sflag:$0x3], $0x8000, $0x38;
	[tilespmem:$0x16400] =	vst v63  }
0x32: {  	_ =	swait.ge [sflag:s29], $0x8000  }
0x33: {  	[sflag:s29] =	ssyncset.done $0x0  }
0x34: {  	s15 =	simm.s32 $0x400;
	[sflag:s29] =	ssyncadd.s32 $0xFFFF8000  }
0x35: {  	[tilespmem:s13], [sflag:$0x1] =	stream.indirect.gather [hbm4b:s4+s12], $0x40, s15, s12, $0xb8;
	[tilespmem:$0x16400] =	vst v63  }
0x36: {  	s17 =	simm.s32 $0x480  }
0x37: {  	[tilespmem:s14], [sflag:$0x1] =	stream.indirect.gather [hbm4b:s4+s12], $0x40, s17, s12, $0xb8;
	[tilespmem:$0x16400] =	vst v63  }
0x38: {  	s19 =	simm.s32 $0x500  }
0x39: {  	[tilespmem:s16], [sflag:$0x1] =	stream.indirect.gather [hbm4b:s4+s12], $0x40, s19, s12, $0xb8;
	[tilespmem:$0x16400] =	vst v63  }
0x3a: {  	s21 =	simm.s32 $0x580  }
0x3b: {  	[tilespmem:s18], [sflag:$0x1] =	stream.indirect.gather [hbm4b:s4+s12], $0x40, s21, s12, $0xb8;
	[tilespmem:$0x16400] =	vst v63  }
0x3c: {  	_ =	swait.ge [sflag:s30], $0x2000  }
0x3d: {  	[sflag:s30] =	ssyncset.done $0x0  }
0x3e: {  	[sflag:s30] =	ssyncadd.s32 $0xFFFFE000  }
0x3f: {  	_ =	swait.ge [sflag:s30], $0x2000  }
0x40: {  	[sflag:s30] =	ssyncset.done $0x0  }
0x41: {  	[sflag:s30] =	ssyncadd.s32 $0xFFFFE000  }
0x42: {  	_ =	swait.ge [sflag:s30], $0x2000  }
0x43: {  	[sflag:s30] =	ssyncset.done $0x0  }
0x44: {  	[sflag:s30] =	ssyncadd.s32 $0xFFFFE000  }
0x45: {  	_ =	swait.ge [sflag:s30], $0x2000  }
0x46: {  	[sflag:s30] =	ssyncset.done $0x0  }
0x47: {  	[sflag:s30] =	ssyncadd.s32 $0xFFFFE000  }
0x48: {  	[hbm4b:s9+s3] =	stream.linear.scatter [tilespmem:s20], [sflag:$0x4], $0x8000, $0x38;
	[tilespmem:$0x16400] =	vst v63  }
0x49: {  	_ =	swait.ge [sflag:s31], $0x8000  }
0x4a: {  	[sflag:s31] =	ssyncset.done $0x0  }
0x4b: {  	s15 =	simm.s32 $0x600;
	[sflag:s31] =	ssyncadd.s32 $0xFFFF8000  }
0x4c: {  	[tilespmem:s20], [sflag:$0x2] =	stream.indirect.gather [hbm4b:s4+s12], $0x40, s15, s12, $0xb8;
	[tilespmem:$0x16400] =	vst v63  }
0x4d: {  	s17 =	simm.s32 $0x680  }
0x4e: {  	[tilespmem:s22], [sflag:$0x2] =	stream.indirect.gather [hbm4b:s4+s12], $0x40, s17, s12, $0xb8;
	[tilespmem:$0x16400] =	vst v63  }
0x4f: {  	s19 =	simm.s32 $0x700  }
0x50: {  	[tilespmem:s24], [sflag:$0x2] =	stream.indirect.gather [hbm4b:s4+s12], $0x40, s19, s12, $0xb8;
	[tilespmem:$0x16400] =	vst v63  }
0x51: {  	s21 =	simm.s32 $0x780  }
0x52: {  	[tilespmem:s26], [sflag:$0x2] =	stream.indirect.gather [hbm4b:s4+s12], $0x40, s21, s12, $0xb8;
	[tilespmem:$0x16400] =	vst v63  }
0x53: {  	_ =	swait.ge [sflag:s28], $0x2000  }
0x54: {  	[sflag:s28] =	ssyncset.done $0x0  }
0x55: {  	[sflag:s28] =	ssyncadd.s32 $0xFFFFE000  }
0x56: {  	_ =	swait.ge [sflag:s28], $0x2000  }
0x57: {  	[sflag:s28] =	ssyncset.done $0x0  }
0x58: {  	[sflag:s28] =	ssyncadd.s32 $0xFFFFE000  }
0x59: {  	_ =	swait.ge [sflag:s28], $0x2000  }
0x5a: {  	[sflag:s28] =	ssyncset.done $0x0  }
0x5b: {  	[sflag:s28] =	ssyncadd.s32 $0xFFFFE000  }
0x5c: {  	s0 =	simm.s32 $0x1000;
	_ =	swait.ge [sflag:s28], $0x2000  }
0x5d: {  	s15 =	sadd.s32 $0x10000, s10;
	s17 =	sshrl.u32 s10, $0x3;
	[sflag:s28] =	ssyncset.done $0x0  }
0x5e: {  	s19 =	sadd.s32 s2, s17;
	s17 =	sadd.s32 $0x2000, s9;
	[sflag:s28] =	ssyncadd.s32 $0xFFFFE000  }
.LBB2_2:
0x5f: {  	[hbm4b:s19+s3] =	stream.linear.scatter [tilespmem:s13], [sflag:$0x3], $0x8000, $0x38;
	[tilespmem:$0x16400] =	vst v63  }
0x60: {  	s19 =	smov.u32 s0  }
0x61: {  	p0 =	sne.s32 s0, $0x17000;
	s0 =	sadd.s32 $0x1000, s0;
	_ =	swait.ge [sflag:s29], $0x8000  }
0x62: {  	s19 =	sshra.s32 s19, $0x2;
	[sflag:s29] =	ssyncset.done $0x0  }
0x63: {  	s21 =	sadd.s32 $0x400, s19;
	[sflag:s29] =	ssyncadd.s32 $0xFFFF8000  }
0x64: {  	[tilespmem:s13], [sflag:$0x1] =	stream.indirect.gather [hbm4b:s4+s12], $0x40, s21, s12, $0xb8;
	[tilespmem:$0x16400] =	vst v63  }
0x65: {  	s21 =	sadd.s32 $0x480, s19  }
0x66: {  	[tilespmem:s14], [sflag:$0x1] =	stream.indirect.gather [hbm4b:s4+s12], $0x40, s21, s12, $0xb8;
	[tilespmem:$0x16400] =	vst v63  }
0x67: {  	s21 =	sadd.s32 $0x500, s19  }
0x68: {  	[tilespmem:s16], [sflag:$0x1] =	stream.indirect.gather [hbm4b:s4+s12], $0x40, s21, s12, $0xb8;
	[tilespmem:$0x16400] =	vst v63  }
0x69: {  	s21 =	sadd.s32 $0x580, s19  }
0x6a: {  	[tilespmem:s18], [sflag:$0x1] =	stream.indirect.gather [hbm4b:s4+s12], $0x40, s21, s12, $0xb8;
	[tilespmem:$0x16400] =	vst v63  }
0x6b: {  	_ =	swait.ge [sflag:s30], $0x2000  }
0x6c: {  	[sflag:s30] =	ssyncset.done $0x0  }
0x6d: {  	[sflag:s30] =	ssyncadd.s32 $0xFFFFE000  }
0x6e: {  	_ =	swait.ge [sflag:s30], $0x2000  }
0x6f: {  	[sflag:s30] =	ssyncset.done $0x0  }
0x70: {  	[sflag:s30] =	ssyncadd.s32 $0xFFFFE000  }
0x71: {  	_ =	swait.ge [sflag:s30], $0x2000  }
0x72: {  	[sflag:s30] =	ssyncset.done $0x0  }
0x73: {  	[sflag:s30] =	ssyncadd.s32 $0xFFFFE000  }
0x74: {  	_ =	swait.ge [sflag:s30], $0x2000  }
0x75: {  	[sflag:s30] =	ssyncset.done $0x0  }
0x76: {  	[sflag:s30] =	ssyncadd.s32 $0xFFFFE000  }
0x77: {  	[hbm4b:s17+s3] =	stream.linear.scatter [tilespmem:s20], [sflag:$0x4], $0x8000, $0x38;
	[tilespmem:$0x16400] =	vst v63  }
0x78: {  	_ =	swait.ge [sflag:s31], $0x8000  }
0x79: {  	[sflag:s31] =	ssyncset.done $0x0  }
0x7a: {  	s21 =	sadd.s32 $0x600, s19;
	[sflag:s31] =	ssyncadd.s32 $0xFFFF8000  }
0x7b: {  	[tilespmem:s20], [sflag:$0x2] =	stream.indirect.gather [hbm4b:s4+s12], $0x40, s21, s12, $0xb8;
	[tilespmem:$0x16400] =	vst v63  }
0x7c: {  	s21 =	sadd.s32 $0x680, s19  }
0x7d: {  	[tilespmem:s22], [sflag:$0x2] =	stream.indirect.gather [hbm4b:s4+s12], $0x40, s21, s12, $0xb8;
	[tilespmem:$0x16400] =	vst v63  }
0x7e: {  	s21 =	sadd.s32 $0x700, s19  }
0x7f: {  	[tilespmem:s24], [sflag:$0x2] =	stream.indirect.gather [hbm4b:s4+s12], $0x40, s21, s12, $0xb8;
	[tilespmem:$0x16400] =	vst v63  }
0x80: {  	s19 =	sadd.s32 $0x780, s19  }
0x81: {  	[tilespmem:s26], [sflag:$0x2] =	stream.indirect.gather [hbm4b:s4+s12], $0x40, s19, s12, $0xb8;
	[tilespmem:$0x16400] =	vst v63  }
0x82: {  	_ =	swait.ge [sflag:s28], $0x2000  }
0x83: {  	[sflag:s28] =	ssyncset.done $0x0  }
0x84: {  	[sflag:s28] =	ssyncadd.s32 $0xFFFFE000  }
0x85: {  	_ =	swait.ge [sflag:s28], $0x2000  }
0x86: {  	[sflag:s28] =	ssyncset.done $0x0  }
0x87: {  	[sflag:s28] =	ssyncadd.s32 $0xFFFFE000  }
0x88: {  	_ =	swait.ge [sflag:s28], $0x2000  }
.Ltmp0:
0x89: {  	[sflag:s28] =	ssyncset.done $0x0;
	(pc) =	sbr.rel @p0 .LBB2_2-.Ltmp0, $4  }
0x8a: {  	[sflag:s28] =	ssyncadd.s32 $0xFFFFE000  }
0x8b: {  	_ =	swait.ge [sflag:s28], $0x2000  }
0x8c: {  	s19 =	sshrl.u32 s15, $0x3;
	s15 =	sadd.s32 $0x10000, s15;
	[sflag:s28] =	ssyncset.done $0x0  }
0x8d: {  	s17 =	sadd.s32 $0x2000, s17;
	s19 =	sadd.s32 s2, s19;
	[sflag:s28] =	ssyncadd.s32 $0xFFFFE000  }
0x8e: {  	[hbm4b:s19+s3] =	stream.linear.scatter [tilespmem:s13], [sflag:$0x3], $0x8000, $0x38;
	[tilespmem:$0x16400] =	vst v63  }
0x8f: {  	_ =	swait.ge [sflag:s29], $0x8000  }
0x90: {  	[sflag:s29] =	ssyncset.done $0x0  }
0x91: {  	[sflag:s29] =	ssyncadd.s32 $0xFFFF8000  }
0x92: {  	_ =	swait.ge [sflag:s30], $0x2000  }
0x93: {  	[sflag:s30] =	ssyncset.done $0x0  }
0x94: {  	[sflag:s30] =	ssyncadd.s32 $0xFFFFE000  }
0x95: {  	_ =	swait.ge [sflag:s30], $0x2000  }
0x96: {  	[sflag:s30] =	ssyncset.done $0x0  }
0x97: {  	[sflag:s30] =	ssyncadd.s32 $0xFFFFE000  }
0x98: {  	_ =	swait.ge [sflag:s30], $0x2000  }
0x99: {  	[sflag:s30] =	ssyncset.done $0x0  }
0x9a: {  	[sflag:s30] =	ssyncadd.s32 $0xFFFFE000  }
0x9b: {  	s1 =	sadd.s32 $0x1, s1;
	_ =	swait.ge [sflag:s30], $0x2000  }
0x9c: {  	p0 =	sne.s32 s1, s8;
	[sflag:s30] =	ssyncset.done $0x0  }
.Ltmp1:
0x9d: {  	[sflag:s30] =	ssyncadd.s32 $0xFFFFE000;
	(pc) =	sbr.rel @p0 .LBB2_1-.Ltmp1, $4  }
0x9e: {  	[hbm4b:s7+s3] =	stream.linear.scatter [tilespmem:s20], [sflag:$0x4], $0x8000, $0x38;
	[tilespmem:$0x16400] =	vst v63  }
0x9f: {  	_ =	swait.ge [sflag:s31], $0x8000  }
0xa0: {  	[sflag:s31] =	ssyncset.done $0x0  }
0xa1: {  	[sflag:s31] =	ssyncadd.s32 $0xFFFF8000  }
0xa2: {  	_ =	sfence.sel $0x180000  }
0xa3: {  	[bflag:$0x0] =	sbarrier.arrive $0xFFFF  }
0xa4: {  	_ =	strace $0x90000047  }
0xa5: {  	s0 =	stileid.u32;
	[bflag:$0x2] =	sbarrier.arrive $0xFFFF  }
0xa6: {  	p0 =	sne.s32 s0, $0x0;
	s0 =	rddreg [dreg:$0x2]  }
0xa7: {  	s0 =	sadd.s32 @!p0 $0x100000, s0  }
0xa8: {  	[sflag:s0] =	ssyncadd.tile.s32 @!p0 $0x1;
	_ =	shalt  }
.Lfunc_end2:
_tile_overlayer_lowered:
.L_overlay_start_2:
0xa9: {  	(tag) =	ssettag $0x2  }
0xaa: {  	s0 =	rddreg [dreg:$0x0];
	s2 =	stileid.u32  }
0xab: {  	s1 =	rddreg [dreg:$0x1];
	p0 =	sne.s32 s2, $0x0  }
0xac: {  	s3 =	rddreg [dreg:$0x2];
	[bflag:$0x3] =	sbarrier.arrive $0xFFFF;
	s2 =	simm.s32 @!p0 $0x1C05  }
0xad: {  	[timem:s3], [sflag:s2] =	dma.local @!p0 [hbm:s0], s1  }
0xae: {  	s0 =	simm.s32 @!p0 $0x5  }
0xaf: {  	_ =	swait.ge @!p0 [sflag:s0], s1  }
0xb0: {  	s1 =	ssub.s32 @!p0 $0x0, s1;
	[sflag:s0] =	ssyncset.done @!p0 $0x0  }
0xb1: {  	[sflag:s0] =	ssyncadd.s32 @!p0 s1  }
0xb2: {  	[bflag:$0x3] =	sbarrier.arrive $0xFFFF  }
0xb3: {  	_ =	shalt  }

// kernel: sparse-core-data-format-call.cloned.1.call-start
scs
called_computation_lowered:
.L_overlay_start_0:
0x0: {  	s2 =	sld [smem:$0x3FD9]  }
0x1: {  	s3 =	sld [smem:$0x3FFE];
	_ =	sdelay $0x1  }
0x2: {  	s1 =	srdreg.scid  }
0x3: {  	s0 =	sand.u32 $0x1, s1  }
0x4: {  	s18 =	sshll.u32 s0, $0xA;
	s2 =	sadd.s32 s3, s2  }
0x5: {  	s2 =	sadd.s32 s2, s18  }
0x6: {  	[smem:$0x3FC6] =	sst s2  }
0x7: {  	_ = 	snop  }
0x8: {  	s2 =	sld [smem:$0x3FD0];
	(tm) =	ssettm $0x1  }
0x9: {  	s19 =	sld [smem:$0x3FFB];
	_ =	sdelay $0x3  }
0xa: {  	_ =	strace s19  }
0xb: {  	s3 =	sld [smem:$0x3FFC];
	_ =	sdelay $0x3  }
0xc: {  	_ =	strace s3  }
0xd: {  	s3 =	sld [smem:$0x3FFD];
	_ =	sdelay $0x3  }
0xe: {  	_ =	strace s3  }
0xf: {  	_ =	strace $0x8FFFFFFF  }
0x10: {  	s20 =	sld [smem:$0x3FDB];
	_ =	sdelay $0x1  }
0x11: {  	s4 =	simm.s32 $_scs_section_size  }
0x12: {  	s5 =	simm.s32 $_size__tile_overlayer_lowered;
	s6 =	simm.s32 $_tile_overlayer_lowered  }
0x13: {  	s23 =	simm.s32 $0x1BFF;
	s22 =	sshll.u32 s6, $0x1;
	s3 =	sadd.s32 s4, s20  }
0x14: {  	s7 =	simm.s32 $0x0;
	s21 =	sshll.u32 s5, $0x1;
	s5 =	sadd.s32 s22, s3  }
0x15: {  	[timem:s7], [sflag:s23] =	dma.local [hbm:s5], s21  }
0x16: {  	_ =	swait.ge [sflag:s23], s21  }
0x17: {  	s4 =	ssub.s32 $0x0, s21;
	[sflag:s23] =	ssyncset.done $0x0  }
0x18: {  	[sflag:s23] =	ssyncadd.s32 s4;
	_ =	sdelay $0x1  }
0x19: {  	s24 =	simm.s32 $0x1B8B  }
0x1a: {  	_ =	swait.ge [sflag:s24], $0x1  }
0x1b: {  	[sflag:s24] =	ssyncset.done $0x0  }
0x1c: {  	s26 =	simm.s32 $0x1B8E;
	s25 =	sld [smem:$0x3FFE];
	[sflag:s24] =	ssyncadd.s32 $0xFFFFFFFF  }
0x1d: {  	s27 =	simm.s32 $execute0_lowered;
	[smem:$0x3FD2] =	sst s26  }
0x1e: {  	s5 =	sshll.u32 s27, $0x1;
	_ =	strace $0x80000049;
	[dreg:$0x1] =	wrdreg $0xFFFFFFFF  }
0x1f: {  	s28 =	simm.s32 $_size_execute0_lowered;
	s3 =	sadd.s32 s3, s5;
	[dreg:$0x0] =	wrdreg $0x0  }
0x20: {  	s5 =	sshll.u32 s28, $0x1;
	[dreg:$0x2] =	wrdreg s3  }
0x21: {  	[dreg:$0x3] =	wrdreg s5  }
0x22: {  	[dreg:$0x4] =	wrdreg $0xC0  }
0x23: {  	_ =	task [dreg:s7], $0x5FFFF  }
0x24: {  	[dreg:$0x1] =	wrdreg $0xFFFFFFFF  }
0x25: {  	[dreg:$0x0] =	wrdreg $0x60  }
0x26: {  	[dreg:$0x2] =	wrdreg s25  }
0x27: {  	[dreg:$0x3] =	wrdreg s2  }
0x28: {  	[dreg:$0x4] =	wrdreg $0x9  }
0x29: {  	_ =	task.clear_ibuf [dreg:s7], $0x5FFFF;
	_ =	strace $0x90000049  }
0x2a: {  	s29 =	simm.s32 $0x9;
	_ =	strace $0x8000004B  }
0x2b: {  	_ =	swait.ge [sflag:s29], $0x1  }
0x2c: {  	[sflag:s29] =	ssyncadd.s32 $0xFFFFFFFF  }
0x2d: {  	_ =	strace $0x9000004B  }
0x2e: {  	_ =	sfence  }
0x2f: {  	s30 =	sld [smem:$0x0];
	_ =	sdelay $0x2  }
0x30: {  	s31 =	sshll.u32 s1, $0xD;
	s1 =	sshrl.u32 s1, $0x2  }
0x31: {  	s3 =	sand.u32 $0x4000, s31;
	s1 =	sadd.s32 s1, s30  }
0x32: {  	s0 =	sor.u32 s3, s0;
	s1 =	sshll.u32 s1, $0x11  }
0x33: {  	s0 =	sor.u32 s1, s0  }
0x34: {  	s0 =	sadd.s32 $0x8F2B, s0  }
0x35: {  	[sflag:s0] =	ssyncadd.remote.s32 $0x1  }
0x36: {  	_ =	sfence.sel $0xFFFF  }
0x37: {  	[dreg:$0x0] =	wrdreg $0xFFFFFFFF;
	(pc) =	sbr.abs _section_cstart, $3  }
0x38: {  	[dreg:$0x1] =	wrdreg $0xFFFFFFFF  }
0x39: {  	_ =	task.clear_ibuf [dreg:s7], $0x2FFFF;
	_ =	strace $0x9FFFFFFF  }
0x3a: {  	(tm) =	ssettm $0x7FFFFFFF  }
0x3b: {  	_ =	shalt  }
tec
execute0_lowered:
.L_overlay_start_1:
0x0: {  	(tag) =	ssettag $0x1  }
0x1: {  	s0 =	srdreg.scid  }
0x2: {  	s1 =	sshll.u32 s0, $0x4  }
0x3: {  	s0 =	stileid.u32;
	s1 =	sand.u32 $0x10, s1  }
0x4: {  	s1 =	sor.u32 s0, s1  }
0x5: {  	s6 =	rddreg [dreg:$0x0];
	s4 =	simm.s32 $0x1;
	s2 =	sshll.u32 s1, $0x7  }
0x6: {  	s7 =	simm.s32 $0x2;
	s12 =	simm.s32 $0x0;
	s1 =	ssub.s32 $0x1000, s2  }
0x7: {  	s8 =	simm.s32 $0x8000;
	s13 =	simm.s32 $0x0;
	s3 =	sand.u32 $0xF80, s1  }
0x8: {  	s9 =	simm.s32 $0x0;
	s5 =	sshrl.u32 s1, $0xC;
	p0 =	sne.s32 s3, $0x0  }
.Ltmp0:
0x9: {  	s1 =	rddreg [dreg:$0x2];
	s4 =	simm.s32 @!p0 $0x0;
	(pc) =	sbr.rel .LBB1_1-.Ltmp0, $4  }
0xa: {  	s11 =	simm.s32 $0x0;
	s3 =	rddreg [dreg:$0x1];
	s5 =	sadd.s32 s4, s5  }
0xb: {  	_ =	strace $0x8000004A;
	s4 =	simm.s32 $0x1;
	s5 =	smul.u32 $0xC8, s5  }
0xc: {  	s6 =	sadd.s32 $0xA00, s6;
	s10 =	smov.u32 s2;
	[sflag:s4] =	ssyncpa.u1 $0x0  }
0xd: {  	p0 =	por $0x0, $0x0;
	[sflag:s7] =	ssyncpa.u1 $0x0;
	s7 =	sor.u32 $0x1, s5  }
.LBB1_4:
0xe: {  	s16 =	sshll.u32 s13, $0x3;
	s17 =	sand.u32 $0x78, s13  }
0xf: {  	s30 =	sand.u32 $0x7E00, s13;
	s12 =	sshll.u32 s12, $0xF;
	s16 =	sand.u32 $0xC00, s16  }
0x10: {  	[tilespmem:s15+$0x810 ss:$0x81] =	vst.msk $0xffff, v2;
	s31 =	sand.u32 $0x7, s13;
	s16 =	sor.u32 s17, s16;
	s17 =	sadd.s32 s3, s30  }
0x11: {  	[tilespmem:s15+$0x1020 ss:$0x81] =	vst.msk $0xffff, v0;
	s13 =	sshll.u32 s31, $0x12;
	s12 =	sadd.s32 s12, s17;
	s16 =	sshrl.u32 s16, $0x3  }
0x12: {  	[tilespmem:s15+$0x0 ss:$0x81] =	vst.msk $0xffff, v1;
	s13 =	sor.u32 $0x400, s13;
	s12 =	sadd.s32 s16, s12  }
0x13: {  	[hbm4b:s12+s13] =	stream.strided.scatter [tilespmem:s14], [sflag:$0x2], $0x2000, s8, s13, $0x20;
	[tilespmem:$0x8080] =	vst v63  }
.LBB1_5:
0x14: {  	s14 =	sadd.s32 $0x1, s9  }
0x15: {  	s12 =	sadd.s32 $0x1000, s10;
	s16 =	smov.u32 s10;
	p2 =	sgt.s32 s14, $0xC7  }
0x16: {  	s16 =	smov.u32 @p2 s12  }
0x17: {  	s14 =	simm.s32 @p2 $0x0;
	p2 =	sgt.s32 s16, $0xFFF  }
0x18: {  	s16 =	smov.u32 @p2 s2;
	p2 =	sne.s32 s11, s7  }
.Ltmp1:
0x19: {  	p1 =	slt.u32 s11, $0x2;
	(pc) =	sbr.rel @!p2 .LBB1_6-.Ltmp1, $4  }
0x1a: {  	s15 =	simm.s32 @!p1 $0x2  }
0x1b: {  	s13 =	smov.u32 s10;
	p0 =	por !p0, !p0;
	_ =	swait.ge @!p1 [sflag:s15], $0x2000  }
0x1c: {  	s12 =	smov.u32 s9;
	[sflag:s15] =	ssyncset.done @!p1 $0x0;
	s9 =	smov.u32 s14  }
0x1d: {  	s11 =	sadd.s32 $0x1, s11;
	[sflag:s15] =	ssyncadd.s32 @!p1 $0xFFFFE000;
	s10 =	smov.u32 s16  }
.LBB1_1:
0x1e: {  	p1 =	sge.u32 s11, s5  }
0x1f: {  	s14 =	sand.u32 @!p1 $0x1FFFFFF, s9  }
0x20: {  	s15 =	smulhi.u32 @!p1 $0x147AE15, s14;
	_ =	sdelay $0x1  }
0x21: {  	s15 =	smul.u32 @!p1 $0xC8, s15  }
0x22: {  	s16 =	sxor.u32 @!p1 $0xFFFFFFFF, s11;
	s17 =	smul.u32 @!p1 $0xC80, s10  }
0x23: {  	s31 =	sadd.s32 $0xFFFFFFFF, s11;
	s16 =	sshll.u32 @!p1 s16, $0xD;
	s14 =	ssub.s32 @!p1 s14, s15  }
0x24: {  	s15 =	sand.u32 @!p1 $0x2000, s16;
	s16 =	sadd.s32 @!p1 s6, s17;
	s14 =	sshll.u32 @!p1 s14, $0x4  }
0x25: {  	s17 =	simm.s32 @!p1 $0x6400;
	s14 =	sadd.s32 @!p1 s14, s16;
	s16 =	simm.s32 @!p1 $0x40  }
0x26: {  	[tilespmem:s15], [sflag:$0x1] =	stream.strided.gather @!p1 [hbm4b:s14+s16], $0x2000, s17, s16, $0x38;
	[tilespmem:$0x8080] =	vst v63  }
0x27: {  	p1 =	sge.u32 s31, s5  }
.Ltmp2:
0x28: {  	_ = 	snop;
	(pc) =	sbr.rel @p1 .LBB1_5-.Ltmp2, $1  }
0x29: {  	_ =	sdelay $0x3  }
0x2a: {  	s14 =	simm.s32 $0x1  }
0x2b: {  	_ =	swait.ge [sflag:s4], $0x2000;
	s14 =	simm.s32 @!p0 $0x0  }
0x2c: {  	[sflag:s4] =	ssyncset.done $0x0;
	s15 =	sshll.u32 s14, $0xD  }
0x2d: {  	[sflag:s4] =	ssyncadd.s32 $0xFFFFE000;
	s18 =	sor.u32 $0x20, s15  }
0x2e: {  	s14 =	smul.u32 $0x8100, s14;
	v3 =	vld [tilespmem:s18+$0x10]  }
0x2f: {  	s30 =	sand.u32 $0x1, s11;
	v2 =	vld [tilespmem:s18+$0xFFFFFFF0]  }
0x30: {  	s15 =	smul.u32 $0x8100, s30;
	s14 =	sshrl.u32 s14, $0x2;
	v0 =	vld [tilespmem:s18+$0x0]  }
0x31: {  	v1 =	vld [tilespmem:s18+$0xFFFFFFE0];
	s16 =	sor.u32 $0x4000, s14  }
0x32: {  	s31 =	sshrl.u32 s15, $0x2;
	s15 =	sadd.s32 $0x0, s16  }
0x33: {  	s17 =	simm.s32 $0x4;
	s18 =	sadd.s32 $0x40, s18;
	s14 =	sor.u32 $0x4000, s31;
	[tilespmem:s15+$0x1830 ss:$0x81] =	vst.msk $0xffff, v3  }
.LBB1_3:
0x34: {  	v3 =	vld [tilespmem:s18+$0x10];
	p1 =	sne.s32 s17, $0x1FC;
	[tilespmem:s15+$0x810 ss:$0x81] =	vst.msk $0xffff, v2;
	s19 =	smov.u32 s17;
	s17 =	sadd.s32 $0x4, s17  }
.Ltmp3:
0x35: {  	v2 =	vld [tilespmem:s18+$0xFFFFFFF0];
	[tilespmem:s15+$0x1020 ss:$0x81] =	vst.msk $0xffff, v0;
	(pc) =	sbr.rel @p1 .LBB1_3-.Ltmp3, $4  }
0x36: {  	v0 =	vld [tilespmem:s18+$0x0];
	[tilespmem:s15+$0x0 ss:$0x81] =	vst.msk $0xffff, v1  }
0x37: {  	s15 =	sshra.s32 s19, $0x2;
	v1 =	vld [tilespmem:s18+$0xFFFFFFE0]  }
0x38: {  	s15 =	sadd.s32 s15, s16  }
0x39: {  	s18 =	sadd.s32 $0x40, s18;
	[tilespmem:s15+$0x1830 ss:$0x81] =	vst.msk $0xffff, v3  }
.Ltmp4:
0x3a: {  	_ = 	snop;
	(pc) =	sbr.rel .LBB1_4-.Ltmp4, $1  }
0x3b: {  	_ =	sdelay $0x3  }
.LBB1_6:
0x3c: {  	_ =	sfence.sel $0x180000  }
0x3d: {  	s2 =	simm.s32 $0x1;
	[bflag:$0x0] =	sbarrier.arrive $0xFFFF  }
0x3e: {  	s31 =	simm.s32 $0x2;
	[sflag:s2] =	ssyncpa.u1 $0x1  }
0x3f: {  	[sflag:s31] =	ssyncpa.u1 $0x1  }
0x40: {  	p0 =	sne.s32 s0, $0x0;
	_ =	strace $0x9000004A  }
0x41: {  	s0 =	sadd.s32 @!p0 $0x100000, s1;
	[bflag:$0x2] =	sbarrier.arrive $0xFFFF  }
0x42: {  	[sflag:s0] =	ssyncadd.tile.s32 @!p0 $0x1;
	_ =	shalt  }
.Lfunc_end1:
_tile_overlayer_lowered:
.L_overlay_start_2:
0x43: {  	(tag) =	ssettag $0x2  }
0x44: {  	s0 =	rddreg [dreg:$0x0];
	s2 =	stileid.u32  }
0x45: {  	s1 =	rddreg [dreg:$0x1];
	p0 =	sne.s32 s2, $0x0  }
0x46: {  	s3 =	rddreg [dreg:$0x2];
	[bflag:$0x3] =	sbarrier.arrive $0xFFFF;
	s2 =	simm.s32 @!p0 $0x1C01  }
0x47: {  	[timem:s3], [sflag:s2] =	dma.local @!p0 [hbm:s0], s1  }
0x48: {  	s0 =	simm.s32 @!p0 $0x1  }
0x49: {  	_ =	swait.ge @!p0 [sflag:s0], s1  }
0x4a: {  	s1 =	ssub.s32 @!p0 $0x0, s1;
	[sflag:s0] =	ssyncset.done @!p0 $0x0  }
0x4b: {  	[sflag:s0] =	ssyncadd.s32 @!p0 s1  }
0x4c: {  	[bflag:$0x3] =	sbarrier.arrive $0xFFFF  }
0x4d: {  	_ =	shalt  }

</sc_bundles>
